<compile_context>
chip_gen: v7x
topology: tpu7x:2x2x1
jax: 0.10.2.dev20260603
libtpu: 0.0.44.dev20260713+nightly
codegen_flags: <defaults>
</compile_context>

<pallas_src>
import functools

import jax
import jax.numpy as jnp
from jax import lax
from jax.experimental import pallas as pl
from jax.experimental.pallas import tpu as pltpu
from jax.experimental.pallas import tpu_sc as plsc

NUM_EMB = 1_000_000
DIM = 32
BATCH = 16384
N_FIELDS = 26
TOTAL = BATCH * N_FIELDS

NC = 2
NS = 16
NW = NC * NS
IDX_PER_TILE = TOTAL // NW
CHUNK = 128
G = 1664
NCHUNK = G // CHUNK
NGROUP = IDX_PER_TILE // G

_mesh = plsc.VectorSubcoreMesh(core_axis_name="c", subcore_axis_name="s")


@functools.partial(
    pl.kernel,
    mesh=_mesh,
    out_type=jax.ShapeDtypeStruct((TOTAL, DIM), jnp.float32),
    compiler_params=pltpu.CompilerParams(use_tc_tiling_on_sc=False),
    scratch_types=[
        pltpu.VMEM((IDX_PER_TILE,), jnp.int32),
        pltpu.VMEM((2, G, DIM), jnp.float32),
        pltpu.SemaphoreType.DMA,
        pltpu.SemaphoreType.DMA,
        pltpu.SemaphoreType.DMA,
        pltpu.SemaphoreType.DMA,
    ],
)
def _gather_sc(idx_hbm, table_hbm, out_hbm, idx_v, buf, gsem0, gsem1,
               ssem0, ssem1):
    wid = lax.axis_index("s") * NC + lax.axis_index("c")
    base = wid * IDX_PER_TILE
    gsems = (gsem0, gsem1)
    ssems = (ssem0, ssem1)

    pltpu.sync_copy(idx_hbm.at[pl.ds(base, IDX_PER_TILE)], idx_v)

    def start_gathers(g, h):
        def body(c, carry):
            pltpu.async_copy(
                table_hbm.at[idx_v.at[pl.ds(g * G + c * CHUNK, CHUNK)]],
                buf.at[h].at[pl.ds(c * CHUNK, CHUNK)],
                gsems[h],
            )
            return carry
        lax.fori_loop(0, NCHUNK, body, 0)

    def wait_gathers(h):
        pltpu.make_async_copy(out_hbm.at[pl.ds(0, G)], buf.at[h],
                              gsems[h]).wait()

    def start_scatter(g, h):
        pltpu.async_copy(buf.at[h], out_hbm.at[pl.ds(base + g * G, G)],
                         ssems[h])

    def wait_scatter(h):
        pltpu.make_async_copy(buf.at[h], out_hbm.at[pl.ds(0, G)],
                              ssems[h]).wait()

    start_gathers(0, 0)
    for g in range(NGROUP):
        h = g % 2
        if g + 1 < NGROUP:
            if g >= 1:
                wait_scatter(1 - h)
            start_gathers(g + 1, 1 - h)
        wait_gathers(h)
        start_scatter(g, h)
    wait_scatter(0)
    wait_scatter(1)


def kernel(indices, table):
    idx_flat = indices.astype(jnp.int32).reshape(TOTAL)
    out = _gather_sc(idx_flat, table)
    return out.reshape(BATCH, N_FIELDS, DIM)

# --- scband reference (transcript-rebuilt; emitter-appended) ---
"""Pipeline reference for scband-mmap-embedding-storage-85985245266458 (READ-ONLY COPY).

The authoritative reference and input builder live on the scoring server;
editing this copy changes nothing except your own understanding.
"""

import jax, jax.numpy as jnp
import numpy as np

NUM_EMBEDDINGS = 1000000
EMBEDDING_DIM = 32
BATCH = 16384
N_FIELDS = 26


def setup_inputs(seed: int = 0) -> dict:
    key = jax.random.key(seed)
    k_idx, k_tab = jax.random.split(key)
    indices = jax.random.randint(k_idx, (BATCH, N_FIELDS), 0, NUM_EMBEDDINGS, dtype=jnp.int64 if jax.config.jax_enable_x64 else jnp.int32)
    # The memory-mapped table is initialized with standard normal values in the
    # torch module; materialize it as a learned parameter here.
    table = jax.random.normal(k_tab, (NUM_EMBEDDINGS, EMBEDDING_DIM), dtype=jnp.float32)
    return {"indices": indices, "table": table}


def reference(indices, table):
    # MMapEmbeddingStorage.forward: self.mmap[indices_np]
    # -> gather rows of the embedding table; output shape [*indices.shape, embedding_dim]
    return jnp.take(table, indices, axis=0)

if __name__ == "__main__":
    import jax
    _d = setup_inputs()
    print(jax.jit(kernel)(*tuple(_d.values())))

</pallas_src>

<mosaic_0001>
#map = affine_map<(d0, d1) -> (0)>
#map1 = affine_map<(d0, d1) -> (0, 0)>
module attributes {stable_mosaic.version = 14 : i64} {
  func.func @_gather_sc(%arg0: i32, %arg1: i32, %arg2: memref<425984xi32, #tpu.memory_space<hbm>>, %arg3: memref<1000000x32xf32, #tpu.memory_space<hbm>>, %arg4: memref<425984x32xf32, #tpu.memory_space<hbm>>, %arg5: memref<13312xi32, #tpu.memory_space<vmem>>, %arg6: memref<2x1664x32xf32, #tpu.memory_space<vmem>>, %arg7: memref<!tpu.dma_semaphore, #tpu.memory_space<semaphore_mem>>, %arg8: memref<!tpu.dma_semaphore, #tpu.memory_space<semaphore_mem>>, %arg9: memref<!tpu.dma_semaphore, #tpu.memory_space<semaphore_mem>>, %arg10: memref<!tpu.dma_semaphore, #tpu.memory_space<semaphore_mem>>) attributes {dimension_semantics = [#tpu.dimension_semantics<core_parallel>, #tpu.dimension_semantics<subcore_parallel>], iteration_bounds = array<i64: 2, 16>, scalar_prefetch = 0 : i64, scratch_operands = 6 : i64, tpu.core_type = #tpu.core_type<sc_vector_subcore>, window_params = [{transform_indices = #map}, {transform_indices = #map1}, {transform_indices = #map1}]} {
    %mul3A = arith.constant 2 : i32
    %mul3A_0 = arith.muli %arg1, %mul3A : i32
    %add3A = arith.addi %mul3A_0, %arg0 : i32
    %mul3A_1 = arith.constant 13312 : i32
    %mul3A_2 = arith.muli %add3A, %mul3A_1 : i32
    "tpu.region"() ({
      %run_scoped3A = tpu.sem_alloc : memref<!tpu.dma_semaphore, #tpu.memory_space<semaphore_mem>>
      %dma_start3A_408 = tpu.memref_slice %arg2[%mul3A_2] : memref<425984xi32, #tpu.memory_space<hbm>> -> memref<13312xi32, #tpu.memory_space<hbm>>
      %dma_start3A_409 = tpu.memref_slice %arg2[%mul3A_2] : memref<425984xi32, #tpu.memory_space<hbm>> -> memref<13312xi32, #tpu.memory_space<hbm>>
      tpu.enqueue_dma source(%dma_start3A_409 : memref<13312xi32, #tpu.memory_space<hbm>>) target(%arg5 : memref<13312xi32, #tpu.memory_space<vmem>>) target_semaphore(%run_scoped3A : memref<!tpu.dma_semaphore, #tpu.memory_space<semaphore_mem>>)
      %dma_wait3A_410 = tpu.memref_slice %arg2[%mul3A_2] : memref<425984xi32, #tpu.memory_space<hbm>> -> memref<13312xi32, #tpu.memory_space<hbm>>
      %dma_wait3A_411 = tpu.memref_slice %arg2[%mul3A_2] : memref<425984xi32, #tpu.memory_space<hbm>> -> memref<13312xi32, #tpu.memory_space<hbm>>
      tpu.wait_dma2 semaphore(%run_scoped3A : memref<!tpu.dma_semaphore, #tpu.memory_space<semaphore_mem>>) src(%dma_wait3A_411 : memref<13312xi32, #tpu.memory_space<hbm>>) dst(%arg5 : memref<13312xi32, #tpu.memory_space<vmem>>)
      tpu.yield
    }) : () -> ()
    %scan3A = arith.constant 0 : i32
    %scan3A_3 = arith.constant 0 : i32
    %scan3A_4 = arith.constant 13 : i32
    %scan3A_5 = arith.addi %scan3A_3, %scan3A_4 : i32
    %scan3A_6 = arith.constant 1 : i32
    scf.for %scan3A_408 = %scan3A_3 to %scan3A_5 step %scan3A_6  : i32 {
      %mul3A_409 = arith.constant 128 : i32
      %mul3A_410 = arith.muli %scan3A_408, %mul3A_409 : i32
      %add3A_411 = arith.constant 0 : i32
      %add3A_412 = arith.addi %add3A_411, %mul3A_410 : i32
      %mul3A_413 = arith.constant 128 : i32
      %mul3A_414 = arith.muli %scan3A_408, %mul3A_413 : i32
      %dma_start3A_415 = arith.constant 0 : i32
      %dma_start3A_416 = arith.constant 0 : i32
      %dma_start3A_417 = arith.constant 0 : i32
      %dma_start3A_418 = tpu.memref_slice %arg6[%dma_start3A_415, %dma_start3A_416, %dma_start3A_417] : memref<2x1664x32xf32, #tpu.memory_space<vmem>> -> memref<1x1664x32xf32, #tpu.memory_space<vmem>>
      %dma_start3A_419 = tpu.memref_squeeze %dma_start3A_418 : memref<1x1664x32xf32, #tpu.memory_space<vmem>> -> memref<1664x32xf32, #tpu.memory_space<vmem>>
      %dma_start3A_420 = arith.constant 0 : i32
      %dma_start3A_421 = tpu.memref_slice %dma_start3A_419[%mul3A_414, %dma_start3A_420] : memref<1664x32xf32, #tpu.memory_space<vmem>> -> memref<128x32xf32, #tpu.memory_space<vmem>>
      %dma_start3A_422 = tpu.memref_slice %arg5[%add3A_412] : memref<13312xi32, #tpu.memory_space<vmem>> -> memref<128xi32, #tpu.memory_space<vmem>>
      %dma_start3A_423 = arith.constant 0 : i32
      %dma_start3A_424 = arith.constant 0 : i32
      %dma_start3A_425 = tpu.memref_slice %arg3[%dma_start3A_423, %dma_start3A_424] : memref<1000000x32xf32, #tpu.memory_space<hbm>> -> memref<1000000x32xf32, #tpu.memory_space<hbm>>
      tpu.enqueue_indirect_dma source(%dma_start3A_425 : memref<1000000x32xf32, #tpu.memory_space<hbm>>) target(%dma_start3A_421 : memref<128x32xf32, #tpu.memory_space<vmem>>) offsets(%dma_start3A_422 : memref<128xi32, #tpu.memory_space<vmem>>) semaphore(%arg7 : memref<!tpu.dma_semaphore, #tpu.memory_space<semaphore_mem>>)
    }
    %scan3A_7 = arith.constant 13 : i32
    %scan3A_8 = arith.constant 0 : i32
    %scan3A_9 = arith.constant 0 : i32
    %scan3A_10 = arith.constant 13 : i32
    %scan3A_11 = arith.addi %scan3A_9, %scan3A_10 : i32
    %scan3A_12 = arith.constant 1 : i32
    scf.for %scan3A_408 = %scan3A_9 to %scan3A_11 step %scan3A_12  : i32 {
      %mul3A_409 = arith.constant 128 : i32
      %mul3A_410 = arith.muli %scan3A_408, %mul3A_409 : i32
      %add3A_411 = arith.constant 1664 : i32
      %add3A_412 = arith.addi %add3A_411, %mul3A_410 : i32
      %mul3A_413 = arith.constant 128 : i32
      %mul3A_414 = arith.muli %scan3A_408, %mul3A_413 : i32
      %dma_start3A_415 = arith.constant 1 : i32
      %dma_start3A_416 = arith.constant 0 : i32
      %dma_start3A_417 = arith.constant 0 : i32
      %dma_start3A_418 = tpu.memref_slice %arg6[%dma_start3A_415, %dma_start3A_416, %dma_start3A_417] : memref<2x1664x32xf32, #tpu.memory_space<vmem>> -> memref<1x1664x32xf32, #tpu.memory_space<vmem>>
      %dma_start3A_419 = tpu.memref_squeeze %dma_start3A_418 : memref<1x1664x32xf32, #tpu.memory_space<vmem>> -> memref<1664x32xf32, #tpu.memory_space<vmem>>
      %dma_start3A_420 = arith.constant 0 : i32
      %dma_start3A_421 = tpu.memref_slice %dma_start3A_419[%mul3A_414, %dma_start3A_420] : memref<1664x32xf32, #tpu.memory_space<vmem>> -> memref<128x32xf32, #tpu.memory_space<vmem>>
      %dma_start3A_422 = tpu.memref_slice %arg5[%add3A_412] : memref<13312xi32, #tpu.memory_space<vmem>> -> memref<128xi32, #tpu.memory_space<vmem>>
      %dma_start3A_423 = arith.constant 0 : i32
      %dma_start3A_424 = arith.constant 0 : i32
      %dma_start3A_425 = tpu.memref_slice %arg3[%dma_start3A_423, %dma_start3A_424] : memref<1000000x32xf32, #tpu.memory_space<hbm>> -> memref<1000000x32xf32, #tpu.memory_space<hbm>>
      tpu.enqueue_indirect_dma source(%dma_start3A_425 : memref<1000000x32xf32, #tpu.memory_space<hbm>>) target(%dma_start3A_421 : memref<128x32xf32, #tpu.memory_space<vmem>>) offsets(%dma_start3A_422 : memref<128xi32, #tpu.memory_space<vmem>>) semaphore(%arg8 : memref<!tpu.dma_semaphore, #tpu.memory_space<semaphore_mem>>)
    }
    %scan3A_13 = arith.constant 13 : i32
    %dma_wait3A = arith.constant 0 : i32
    %dma_wait3A_14 = arith.constant 0 : i32
    %dma_wait3A_15 = arith.constant 0 : i32
    %dma_wait3A_16 = tpu.memref_slice %arg6[%dma_wait3A, %dma_wait3A_14, %dma_wait3A_15] : memref<2x1664x32xf32, #tpu.memory_space<vmem>> -> memref<1x1664x32xf32, #tpu.memory_space<vmem>>
    %dma_wait3A_17 = tpu.memref_squeeze %dma_wait3A_16 : memref<1x1664x32xf32, #tpu.memory_space<vmem>> -> memref<1664x32xf32, #tpu.memory_space<vmem>>
    %dma_wait3A_18 = arith.constant 0 : i32
    %dma_wait3A_19 = arith.constant 0 : i32
    %dma_wait3A_20 = tpu.memref_slice %arg4[%dma_wait3A_18, %dma_wait3A_19] : memref<425984x32xf32, #tpu.memory_space<hbm>> -> memref<1664x32xf32, #tpu.memory_space<hbm>>
    %dma_wait3A_21 = arith.constant 0 : i32
    %dma_wait3A_22 = arith.constant 0 : i32
    %dma_wait3A_23 = tpu.memref_slice %arg6[%dma_wait3A, %dma_wait3A_21, %dma_wait3A_22] : memref<2x1664x32xf32, #tpu.memory_space<vmem>> -> memref<1x1664x32xf32, #tpu.memory_space<vmem>>
    %dma_wait3A_24 = tpu.memref_squeeze %dma_wait3A_23 : memref<1x1664x32xf32, #tpu.memory_space<vmem>> -> memref<1664x32xf32, #tpu.memory_space<vmem>>
    %dma_wait3A_25 = arith.constant 0 : i32
    %dma_wait3A_26 = arith.constant 0 : i32
    %dma_wait3A_27 = tpu.memref_slice %arg4[%dma_wait3A_25, %dma_wait3A_26] : memref<425984x32xf32, #tpu.memory_space<hbm>> -> memref<1664x32xf32, #tpu.memory_space<hbm>>
    tpu.wait_dma2 semaphore(%arg7 : memref<!tpu.dma_semaphore, #tpu.memory_space<semaphore_mem>>) src(%dma_wait3A_27 : memref<1664x32xf32, #tpu.memory_space<hbm>>) dst(%dma_wait3A_24 : memref<1664x32xf32, #tpu.memory_space<vmem>>)
    %add3A_28 = arith.constant 0 : i32
    %add3A_29 = arith.addi %mul3A_2, %add3A_28 : i32
    %dma_start3A = arith.constant 0 : i32
    %dma_start3A_30 = arith.constant 0 : i32
    %dma_start3A_31 = arith.constant 0 : i32
    %dma_start3A_32 = tpu.memref_slice %arg6[%dma_start3A, %dma_start3A_30, %dma_start3A_31] : memref<2x1664x32xf32, #tpu.memory_space<vmem>> -> memref<1x1664x32xf32, #tpu.memory_space<vmem>>
    %dma_start3A_33 = tpu.memref_squeeze %dma_start3A_32 : memref<1x1664x32xf32, #tpu.memory_space<vmem>> -> memref<1664x32xf32, #tpu.memory_space<vmem>>
    %dma_start3A_34 = arith.constant 0 : i32
    %dma_start3A_35 = tpu.memref_slice %arg4[%add3A_29, %dma_start3A_34] : memref<425984x32xf32, #tpu.memory_space<hbm>> -> memref<1664x32xf32, #tpu.memory_space<hbm>>
    %dma_start3A_36 = arith.constant 0 : i32
    %dma_start3A_37 = tpu.memref_slice %arg4[%add3A_29, %dma_start3A_36] : memref<425984x32xf32, #tpu.memory_space<hbm>> -> memref<1664x32xf32, #tpu.memory_space<hbm>>
    %dma_start3A_38 = arith.constant 0 : i32
    %dma_start3A_39 = arith.constant 0 : i32
    %dma_start3A_40 = tpu.memref_slice %arg6[%dma_start3A, %dma_start3A_38, %dma_start3A_39] : memref<2x1664x32xf32, #tpu.memory_space<vmem>> -> memref<1x1664x32xf32, #tpu.memory_space<vmem>>
    %dma_start3A_41 = tpu.memref_squeeze %dma_start3A_40 : memref<1x1664x32xf32, #tpu.memory_space<vmem>> -> memref<1664x32xf32, #tpu.memory_space<vmem>>
    tpu.enqueue_dma source(%dma_start3A_41 : memref<1664x32xf32, #tpu.memory_space<vmem>>) target(%dma_start3A_37 : memref<1664x32xf32, #tpu.memory_space<hbm>>) target_semaphore(%arg9 : memref<!tpu.dma_semaphore, #tpu.memory_space<semaphore_mem>>)
    %dma_wait3A_42 = arith.constant 0 : i32
    %dma_wait3A_43 = arith.constant 0 : i32
    %dma_wait3A_44 = arith.constant 0 : i32
    %dma_wait3A_45 = tpu.memref_slice %arg6[%dma_wait3A_42, %dma_wait3A_43, %dma_wait3A_44] : memref<2x1664x32xf32, #tpu.memory_space<vmem>> -> memref<1x1664x32xf32, #tpu.memory_space<vmem>>
    %dma_wait3A_46 = tpu.memref_squeeze %dma_wait3A_45 : memref<1x1664x32xf32, #tpu.memory_space<vmem>> -> memref<1664x32xf32, #tpu.memory_space<vmem>>
    %dma_wait3A_47 = arith.constant 0 : i32
    %dma_wait3A_48 = arith.constant 0 : i32
    %dma_wait3A_49 = tpu.memref_slice %arg4[%dma_wait3A_47, %dma_wait3A_48] : memref<425984x32xf32, #tpu.memory_space<hbm>> -> memref<1664x32xf32, #tpu.memory_space<hbm>>
    %dma_wait3A_50 = arith.constant 0 : i32
    %dma_wait3A_51 = arith.constant 0 : i32
    %dma_wait3A_52 = tpu.memref_slice %arg4[%dma_wait3A_50, %dma_wait3A_51] : memref<425984x32xf32, #tpu.memory_space<hbm>> -> memref<1664x32xf32, #tpu.memory_space<hbm>>
    %dma_wait3A_53 = arith.constant 0 : i32
    %dma_wait3A_54 = arith.constant 0 : i32
    %dma_wait3A_55 = tpu.memref_slice %arg6[%dma_wait3A_42, %dma_wait3A_53, %dma_wait3A_54] : memref<2x1664x32xf32, #tpu.memory_space<vmem>> -> memref<1x1664x32xf32, #tpu.memory_space<vmem>>
    %dma_wait3A_56 = tpu.memref_squeeze %dma_wait3A_55 : memref<1x1664x32xf32, #tpu.memory_space<vmem>> -> memref<1664x32xf32, #tpu.memory_space<vmem>>
    tpu.wait_dma2 semaphore(%arg9 : memref<!tpu.dma_semaphore, #tpu.memory_space<semaphore_mem>>) src(%dma_wait3A_56 : memref<1664x32xf32, #tpu.memory_space<vmem>>) dst(%dma_wait3A_52 : memref<1664x32xf32, #tpu.memory_space<hbm>>)
    %scan3A_57 = arith.constant 0 : i32
    %scan3A_58 = arith.constant 0 : i32
    %scan3A_59 = arith.constant 13 : i32
    %scan3A_60 = arith.addi %scan3A_58, %scan3A_59 : i32
    %scan3A_61 = arith.constant 1 : i32
    scf.for %scan3A_408 = %scan3A_58 to %scan3A_60 step %scan3A_61  : i32 {
      %mul3A_409 = arith.constant 128 : i32
      %mul3A_410 = arith.muli %scan3A_408, %mul3A_409 : i32
      %add3A_411 = arith.constant 3328 : i32
      %add3A_412 = arith.addi %add3A_411, %mul3A_410 : i32
      %mul3A_413 = arith.constant 128 : i32
      %mul3A_414 = arith.muli %scan3A_408, %mul3A_413 : i32
      %dma_start3A_415 = arith.constant 0 : i32
      %dma_start3A_416 = arith.constant 0 : i32
      %dma_start3A_417 = arith.constant 0 : i32
      %dma_start3A_418 = tpu.memref_slice %arg6[%dma_start3A_415, %dma_start3A_416, %dma_start3A_417] : memref<2x1664x32xf32, #tpu.memory_space<vmem>> -> memref<1x1664x32xf32, #tpu.memory_space<vmem>>
      %dma_start3A_419 = tpu.memref_squeeze %dma_start3A_418 : memref<1x1664x32xf32, #tpu.memory_space<vmem>> -> memref<1664x32xf32, #tpu.memory_space<vmem>>
      %dma_start3A_420 = arith.constant 0 : i32
      %dma_start3A_421 = tpu.memref_slice %dma_start3A_419[%mul3A_414, %dma_start3A_420] : memref<1664x32xf32, #tpu.memory_space<vmem>> -> memref<128x32xf32, #tpu.memory_space<vmem>>
      %dma_start3A_422 = tpu.memref_slice %arg5[%add3A_412] : memref<13312xi32, #tpu.memory_space<vmem>> -> memref<128xi32, #tpu.memory_space<vmem>>
      %dma_start3A_423 = arith.constant 0 : i32
      %dma_start3A_424 = arith.constant 0 : i32
      %dma_start3A_425 = tpu.memref_slice %arg3[%dma_start3A_423, %dma_start3A_424] : memref<1000000x32xf32, #tpu.memory_space<hbm>> -> memref<1000000x32xf32, #tpu.memory_space<hbm>>
      tpu.enqueue_indirect_dma source(%dma_start3A_425 : memref<1000000x32xf32, #tpu.memory_space<hbm>>) target(%dma_start3A_421 : memref<128x32xf32, #tpu.memory_space<vmem>>) offsets(%dma_start3A_422 : memref<128xi32, #tpu.memory_space<vmem>>) semaphore(%arg7 : memref<!tpu.dma_semaphore, #tpu.memory_space<semaphore_mem>>)
    }
    %scan3A_62 = arith.constant 13 : i32
    %dma_wait3A_63 = arith.constant 1 : i32
    %dma_wait3A_64 = arith.constant 0 : i32
    %dma_wait3A_65 = arith.constant 0 : i32
    %dma_wait3A_66 = tpu.memref_slice %arg6[%dma_wait3A_63, %dma_wait3A_64, %dma_wait3A_65] : memref<2x1664x32xf32, #tpu.memory_space<vmem>> -> memref<1x1664x32xf32, #tpu.memory_space<vmem>>
    %dma_wait3A_67 = tpu.memref_squeeze %dma_wait3A_66 : memref<1x1664x32xf32, #tpu.memory_space<vmem>> -> memref<1664x32xf32, #tpu.memory_space<vmem>>
    %dma_wait3A_68 = arith.constant 0 : i32
    %dma_wait3A_69 = arith.constant 0 : i32
    %dma_wait3A_70 = tpu.memref_slice %arg4[%dma_wait3A_68, %dma_wait3A_69] : memref<425984x32xf32, #tpu.memory_space<hbm>> -> memref<1664x32xf32, #tpu.memory_space<hbm>>
    %dma_wait3A_71 = arith.constant 0 : i32
    %dma_wait3A_72 = arith.constant 0 : i32
    %dma_wait3A_73 = tpu.memref_slice %arg6[%dma_wait3A_63, %dma_wait3A_71, %dma_wait3A_72] : memref<2x1664x32xf32, #tpu.memory_space<vmem>> -> memref<1x1664x32xf32, #tpu.memory_space<vmem>>
    %dma_wait3A_74 = tpu.memref_squeeze %dma_wait3A_73 : memref<1x1664x32xf32, #tpu.memory_space<vmem>> -> memref<1664x32xf32, #tpu.memory_space<vmem>>
    %dma_wait3A_75 = arith.constant 0 : i32
    %dma_wait3A_76 = arith.constant 0 : i32
    %dma_wait3A_77 = tpu.memref_slice %arg4[%dma_wait3A_75, %dma_wait3A_76] : memref<425984x32xf32, #tpu.memory_space<hbm>> -> memref<1664x32xf32, #tpu.memory_space<hbm>>
    tpu.wait_dma2 semaphore(%arg8 : memref<!tpu.dma_semaphore, #tpu.memory_space<semaphore_mem>>) src(%dma_wait3A_77 : memref<1664x32xf32, #tpu.memory_space<hbm>>) dst(%dma_wait3A_74 : memref<1664x32xf32, #tpu.memory_space<vmem>>)
    %add3A_78 = arith.constant 1664 : i32
    %add3A_79 = arith.addi %mul3A_2, %add3A_78 : i32
    %dma_start3A_80 = arith.constant 1 : i32
    %dma_start3A_81 = arith.constant 0 : i32
    %dma_start3A_82 = arith.constant 0 : i32
    %dma_start3A_83 = tpu.memref_slice %arg6[%dma_start3A_80, %dma_start3A_81, %dma_start3A_82] : memref<2x1664x32xf32, #tpu.memory_space<vmem>> -> memref<1x1664x32xf32, #tpu.memory_space<vmem>>
    %dma_start3A_84 = tpu.memref_squeeze %dma_start3A_83 : memref<1x1664x32xf32, #tpu.memory_space<vmem>> -> memref<1664x32xf32, #tpu.memory_space<vmem>>
    %dma_start3A_85 = arith.constant 0 : i32
    %dma_start3A_86 = tpu.memref_slice %arg4[%add3A_79, %dma_start3A_85] : memref<425984x32xf32, #tpu.memory_space<hbm>> -> memref<1664x32xf32, #tpu.memory_space<hbm>>
    %dma_start3A_87 = arith.constant 0 : i32
    %dma_start3A_88 = tpu.memref_slice %arg4[%add3A_79, %dma_start3A_87] : memref<425984x32xf32, #tpu.memory_space<hbm>> -> memref<1664x32xf32, #tpu.memory_space<hbm>>
    %dma_start3A_89 = arith.constant 0 : i32
    %dma_start3A_90 = arith.constant 0 : i32
    %dma_start3A_91 = tpu.memref_slice %arg6[%dma_start3A_80, %dma_start3A_89, %dma_start3A_90] : memref<2x1664x32xf32, #tpu.memory_space<vmem>> -> memref<1x1664x32xf32, #tpu.memory_space<vmem>>
    %dma_start3A_92 = tpu.memref_squeeze %dma_start3A_91 : memref<1x1664x32xf32, #tpu.memory_space<vmem>> -> memref<1664x32xf32, #tpu.memory_space<vmem>>
    tpu.enqueue_dma source(%dma_start3A_92 : memref<1664x32xf32, #tpu.memory_space<vmem>>) target(%dma_start3A_88 : memref<1664x32xf32, #tpu.memory_space<hbm>>) target_semaphore(%arg10 : memref<!tpu.dma_semaphore, #tpu.memory_space<semaphore_mem>>)
    %dma_wait3A_93 = arith.constant 1 : i32
    %dma_wait3A_94 = arith.constant 0 : i32
    %dma_wait3A_95 = arith.constant 0 : i32
    %dma_wait3A_96 = tpu.memref_slice %arg6[%dma_wait3A_93, %dma_wait3A_94, %dma_wait3A_95] : memref<2x1664x32xf32, #tpu.memory_space<vmem>> -> memref<1x1664x32xf32, #tpu.memory_space<vmem>>
    %dma_wait3A_97 = tpu.memref_squeeze %dma_wait3A_96 : memref<1x1664x32xf32, #tpu.memory_space<vmem>> -> memref<1664x32xf32, #tpu.memory_space<vmem>>
    %dma_wait3A_98 = arith.constant 0 : i32
    %dma_wait3A_99 = arith.constant 0 : i32
    %dma_wait3A_100 = tpu.memref_slice %arg4[%dma_wait3A_98, %dma_wait3A_99] : memref<425984x32xf32, #tpu.memory_space<hbm>> -> memref<1664x32xf32, #tpu.memory_space<hbm>>
    %dma_wait3A_101 = arith.constant 0 : i32
    %dma_wait3A_102 = arith.constant 0 : i32
    %dma_wait3A_103 = tpu.memref_slice %arg4[%dma_wait3A_101, %dma_wait3A_102] : memref<425984x32xf32, #tpu.memory_space<hbm>> -> memref<1664x32xf32, #tpu.memory_space<hbm>>
    %dma_wait3A_104 = arith.constant 0 : i32
    %dma_wait3A_105 = arith.constant 0 : i32
    %dma_wait3A_106 = tpu.memref_slice %arg6[%dma_wait3A_93, %dma_wait3A_104, %dma_wait3A_105] : memref<2x1664x32xf32, #tpu.memory_space<vmem>> -> memref<1x1664x32xf32, #tpu.memory_space<vmem>>
    %dma_wait3A_107 = tpu.memref_squeeze %dma_wait3A_106 : memref<1x1664x32xf32, #tpu.memory_space<vmem>> -> memref<1664x32xf32, #tpu.memory_space<vmem>>
    tpu.wait_dma2 semaphore(%arg10 : memref<!tpu.dma_semaphore, #tpu.memory_space<semaphore_mem>>) src(%dma_wait3A_107 : memref<1664x32xf32, #tpu.memory_space<vmem>>) dst(%dma_wait3A_103 : memref<1664x32xf32, #tpu.memory_space<hbm>>)
    %scan3A_108 = arith.constant 0 : i32
    %scan3A_109 = arith.constant 0 : i32
    %scan3A_110 = arith.constant 13 : i32
    %scan3A_111 = arith.addi %scan3A_109, %scan3A_110 : i32
    %scan3A_112 = arith.constant 1 : i32
    scf.for %scan3A_408 = %scan3A_109 to %scan3A_111 step %scan3A_112  : i32 {
      %mul3A_409 = arith.constant 128 : i32
      %mul3A_410 = arith.muli %scan3A_408, %mul3A_409 : i32
      %add3A_411 = arith.constant 4992 : i32
      %add3A_412 = arith.addi %add3A_411, %mul3A_410 : i32
      %mul3A_413 = arith.constant 128 : i32
      %mul3A_414 = arith.muli %scan3A_408, %mul3A_413 : i32
      %dma_start3A_415 = arith.constant 1 : i32
      %dma_start3A_416 = arith.constant 0 : i32
      %dma_start3A_417 = arith.constant 0 : i32
      %dma_start3A_418 = tpu.memref_slice %arg6[%dma_start3A_415, %dma_start3A_416, %dma_start3A_417] : memref<2x1664x32xf32, #tpu.memory_space<vmem>> -> memref<1x1664x32xf32, #tpu.memory_space<vmem>>
      %dma_start3A_419 = tpu.memref_squeeze %dma_start3A_418 : memref<1x1664x32xf32, #tpu.memory_space<vmem>> -> memref<1664x32xf32, #tpu.memory_space<vmem>>
      %dma_start3A_420 = arith.constant 0 : i32
      %dma_start3A_421 = tpu.memref_slice %dma_start3A_419[%mul3A_414, %dma_start3A_420] : memref<1664x32xf32, #tpu.memory_space<vmem>> -> memref<128x32xf32, #tpu.memory_space<vmem>>
      %dma_start3A_422 = tpu.memref_slice %arg5[%add3A_412] : memref<13312xi32, #tpu.memory_space<vmem>> -> memref<128xi32, #tpu.memory_space<vmem>>
      %dma_start3A_423 = arith.constant 0 : i32
      %dma_start3A_424 = arith.constant 0 : i32
      %dma_start3A_425 = tpu.memref_slice %arg3[%dma_start3A_423, %dma_start3A_424] : memref<1000000x32xf32, #tpu.memory_space<hbm>> -> memref<1000000x32xf32, #tpu.memory_space<hbm>>
      tpu.enqueue_indirect_dma source(%dma_start3A_425 : memref<1000000x32xf32, #tpu.memory_space<hbm>>) target(%dma_start3A_421 : memref<128x32xf32, #tpu.memory_space<vmem>>) offsets(%dma_start3A_422 : memref<128xi32, #tpu.memory_space<vmem>>) semaphore(%arg8 : memref<!tpu.dma_semaphore, #tpu.memory_space<semaphore_mem>>)
    }
    %scan3A_113 = arith.constant 13 : i32
    %dma_wait3A_114 = arith.constant 0 : i32
    %dma_wait3A_115 = arith.constant 0 : i32
    %dma_wait3A_116 = arith.constant 0 : i32
    %dma_wait3A_117 = tpu.memref_slice %arg6[%dma_wait3A_114, %dma_wait3A_115, %dma_wait3A_116] : memref<2x1664x32xf32, #tpu.memory_space<vmem>> -> memref<1x1664x32xf32, #tpu.memory_space<vmem>>
    %dma_wait3A_118 = tpu.memref_squeeze %dma_wait3A_117 : memref<1x1664x32xf32, #tpu.memory_space<vmem>> -> memref<1664x32xf32, #tpu.memory_space<vmem>>
    %dma_wait3A_119 = arith.constant 0 : i32
    %dma_wait3A_120 = arith.constant 0 : i32
    %dma_wait3A_121 = tpu.memref_slice %arg4[%dma_wait3A_119, %dma_wait3A_120] : memref<425984x32xf32, #tpu.memory_space<hbm>> -> memref<1664x32xf32, #tpu.memory_space<hbm>>
    %dma_wait3A_122 = arith.constant 0 : i32
    %dma_wait3A_123 = arith.constant 0 : i32
    %dma_wait3A_124 = tpu.memref_slice %arg6[%dma_wait3A_114, %dma_wait3A_122, %dma_wait3A_123] : memref<2x1664x32xf32, #tpu.memory_space<vmem>> -> memref<1x1664x32xf32, #tpu.memory_space<vmem>>
    %dma_wait3A_125 = tpu.memref_squeeze %dma_wait3A_124 : memref<1x1664x32xf32, #tpu.memory_space<vmem>> -> memref<1664x32xf32, #tpu.memory_space<vmem>>
    %dma_wait3A_126 = arith.constant 0 : i32
    %dma_wait3A_127 = arith.constant 0 : i32
    %dma_wait3A_128 = tpu.memref_slice %arg4[%dma_wait3A_126, %dma_wait3A_127] : memref<425984x32xf32, #tpu.memory_space<hbm>> -> memref<1664x32xf32, #tpu.memory_space<hbm>>
    tpu.wait_dma2 semaphore(%arg7 : memref<!tpu.dma_semaphore, #tpu.memory_space<semaphore_mem>>) src(%dma_wait3A_128 : memref<1664x32xf32, #tpu.memory_space<hbm>>) dst(%dma_wait3A_125 : memref<1664x32xf32, #tpu.memory_space<vmem>>)
    %add3A_129 = arith.constant 3328 : i32
    %add3A_130 = arith.addi %mul3A_2, %add3A_129 : i32
    %dma_start3A_131 = arith.constant 0 : i32
    %dma_start3A_132 = arith.constant 0 : i32
    %dma_start3A_133 = arith.constant 0 : i32
    %dma_start3A_134 = tpu.memref_slice %arg6[%dma_start3A_131, %dma_start3A_132, %dma_start3A_133] : memref<2x1664x32xf32, #tpu.memory_space<vmem>> -> memref<1x1664x32xf32, #tpu.memory_space<vmem>>
    %dma_start3A_135 = tpu.memref_squeeze %dma_start3A_134 : memref<1x1664x32xf32, #tpu.memory_space<vmem>> -> memref<1664x32xf32, #tpu.memory_space<vmem>>
    %dma_start3A_136 = arith.constant 0 : i32
    %dma_start3A_137 = tpu.memref_slice %arg4[%add3A_130, %dma_start3A_136] : memref<425984x32xf32, #tpu.memory_space<hbm>> -> memref<1664x32xf32, #tpu.memory_space<hbm>>
    %dma_start3A_138 = arith.constant 0 : i32
    %dma_start3A_139 = tpu.memref_slice %arg4[%add3A_130, %dma_start3A_138] : memref<425984x32xf32, #tpu.memory_space<hbm>> -> memref<1664x32xf32, #tpu.memory_space<hbm>>
    %dma_start3A_140 = arith.constant 0 : i32
    %dma_start3A_141 = arith.constant 0 : i32
    %dma_start3A_142 = tpu.memref_slice %arg6[%dma_start3A_131, %dma_start3A_140, %dma_start3A_141] : memref<2x1664x32xf32, #tpu.memory_space<vmem>> -> memref<1x1664x32xf32, #tpu.memory_space<vmem>>
    %dma_start3A_143 = tpu.memref_squeeze %dma_start3A_142 : memref<1x1664x32xf32, #tpu.memory_space<vmem>> -> memref<1664x32xf32, #tpu.memory_space<vmem>>
    tpu.enqueue_dma source(%dma_start3A_143 : memref<1664x32xf32, #tpu.memory_space<vmem>>) target(%dma_start3A_139 : memref<1664x32xf32, #tpu.memory_space<hbm>>) target_semaphore(%arg9 : memref<!tpu.dma_semaphore, #tpu.memory_space<semaphore_mem>>)
    %dma_wait3A_144 = arith.constant 0 : i32
    %dma_wait3A_145 = arith.constant 0 : i32
    %dma_wait3A_146 = arith.constant 0 : i32
    %dma_wait3A_147 = tpu.memref_slice %arg6[%dma_wait3A_144, %dma_wait3A_145, %dma_wait3A_146] : memref<2x1664x32xf32, #tpu.memory_space<vmem>> -> memref<1x1664x32xf32, #tpu.memory_space<vmem>>
    %dma_wait3A_148 = tpu.memref_squeeze %dma_wait3A_147 : memref<1x1664x32xf32, #tpu.memory_space<vmem>> -> memref<1664x32xf32, #tpu.memory_space<vmem>>
    %dma_wait3A_149 = arith.constant 0 : i32
    %dma_wait3A_150 = arith.constant 0 : i32
    %dma_wait3A_151 = tpu.memref_slice %arg4[%dma_wait3A_149, %dma_wait3A_150] : memref<425984x32xf32, #tpu.memory_space<hbm>> -> memref<1664x32xf32, #tpu.memory_space<hbm>>
    %dma_wait3A_152 = arith.constant 0 : i32
    %dma_wait3A_153 = arith.constant 0 : i32
    %dma_wait3A_154 = tpu.memref_slice %arg4[%dma_wait3A_152, %dma_wait3A_153] : memref<425984x32xf32, #tpu.memory_space<hbm>> -> memref<1664x32xf32, #tpu.memory_space<hbm>>
    %dma_wait3A_155 = arith.constant 0 : i32
    %dma_wait3A_156 = arith.constant 0 : i32
    %dma_wait3A_157 = tpu.memref_slice %arg6[%dma_wait3A_144, %dma_wait3A_155, %dma_wait3A_156] : memref<2x1664x32xf32, #tpu.memory_space<vmem>> -> memref<1x1664x32xf32, #tpu.memory_space<vmem>>
    %dma_wait3A_158 = tpu.memref_squeeze %dma_wait3A_157 : memref<1x1664x32xf32, #tpu.memory_space<vmem>> -> memref<1664x32xf32, #tpu.memory_space<vmem>>
    tpu.wait_dma2 semaphore(%arg9 : memref<!tpu.dma_semaphore, #tpu.memory_space<semaphore_mem>>) src(%dma_wait3A_158 : memref<1664x32xf32, #tpu.memory_space<vmem>>) dst(%dma_wait3A_154 : memref<1664x32xf32, #tpu.memory_space<hbm>>)
    %scan3A_159 = arith.constant 0 : i32
    %scan3A_160 = arith.constant 0 : i32
    %scan3A_161 = arith.constant 13 : i32
    %scan3A_162 = arith.addi %scan3A_160, %scan3A_161 : i32
    %scan3A_163 = arith.constant 1 : i32
    scf.for %scan3A_408 = %scan3A_160 to %scan3A_162 step %scan3A_163  : i32 {
      %mul3A_409 = arith.constant 128 : i32
      %mul3A_410 = arith.muli %scan3A_408, %mul3A_409 : i32
      %add3A_411 = arith.constant 6656 : i32
      %add3A_412 = arith.addi %add3A_411, %mul3A_410 : i32
      %mul3A_413 = arith.constant 128 : i32
      %mul3A_414 = arith.muli %scan3A_408, %mul3A_413 : i32
      %dma_start3A_415 = arith.constant 0 : i32
      %dma_start3A_416 = arith.constant 0 : i32
      %dma_start3A_417 = arith.constant 0 : i32
      %dma_start3A_418 = tpu.memref_slice %arg6[%dma_start3A_415, %dma_start3A_416, %dma_start3A_417] : memref<2x1664x32xf32, #tpu.memory_space<vmem>> -> memref<1x1664x32xf32, #tpu.memory_space<vmem>>
      %dma_start3A_419 = tpu.memref_squeeze %dma_start3A_418 : memref<1x1664x32xf32, #tpu.memory_space<vmem>> -> memref<1664x32xf32, #tpu.memory_space<vmem>>
      %dma_start3A_420 = arith.constant 0 : i32
      %dma_start3A_421 = tpu.memref_slice %dma_start3A_419[%mul3A_414, %dma_start3A_420] : memref<1664x32xf32, #tpu.memory_space<vmem>> -> memref<128x32xf32, #tpu.memory_space<vmem>>
      %dma_start3A_422 = tpu.memref_slice %arg5[%add3A_412] : memref<13312xi32, #tpu.memory_space<vmem>> -> memref<128xi32, #tpu.memory_space<vmem>>
      %dma_start3A_423 = arith.constant 0 : i32
      %dma_start3A_424 = arith.constant 0 : i32
      %dma_start3A_425 = tpu.memref_slice %arg3[%dma_start3A_423, %dma_start3A_424] : memref<1000000x32xf32, #tpu.memory_space<hbm>> -> memref<1000000x32xf32, #tpu.memory_space<hbm>>
      tpu.enqueue_indirect_dma source(%dma_start3A_425 : memref<1000000x32xf32, #tpu.memory_space<hbm>>) target(%dma_start3A_421 : memref<128x32xf32, #tpu.memory_space<vmem>>) offsets(%dma_start3A_422 : memref<128xi32, #tpu.memory_space<vmem>>) semaphore(%arg7 : memref<!tpu.dma_semaphore, #tpu.memory_space<semaphore_mem>>)
    }
    %scan3A_164 = arith.constant 13 : i32
    %dma_wait3A_165 = arith.constant 1 : i32
    %dma_wait3A_166 = arith.constant 0 : i32
    %dma_wait3A_167 = arith.constant 0 : i32
    %dma_wait3A_168 = tpu.memref_slice %arg6[%dma_wait3A_165, %dma_wait3A_166, %dma_wait3A_167] : memref<2x1664x32xf32, #tpu.memory_space<vmem>> -> memref<1x1664x32xf32, #tpu.memory_space<vmem>>
    %dma_wait3A_169 = tpu.memref_squeeze %dma_wait3A_168 : memref<1x1664x32xf32, #tpu.memory_space<vmem>> -> memref<1664x32xf32, #tpu.memory_space<vmem>>
    %dma_wait3A_170 = arith.constant 0 : i32
    %dma_wait3A_171 = arith.constant 0 : i32
    %dma_wait3A_172 = tpu.memref_slice %arg4[%dma_wait3A_170, %dma_wait3A_171] : memref<425984x32xf32, #tpu.memory_space<hbm>> -> memref<1664x32xf32, #tpu.memory_space<hbm>>
    %dma_wait3A_173 = arith.constant 0 : i32
    %dma_wait3A_174 = arith.constant 0 : i32
    %dma_wait3A_175 = tpu.memref_slice %arg6[%dma_wait3A_165, %dma_wait3A_173, %dma_wait3A_174] : memref<2x1664x32xf32, #tpu.memory_space<vmem>> -> memref<1x1664x32xf32, #tpu.memory_space<vmem>>
    %dma_wait3A_176 = tpu.memref_squeeze %dma_wait3A_175 : memref<1x1664x32xf32, #tpu.memory_space<vmem>> -> memref<1664x32xf32, #tpu.memory_space<vmem>>
    %dma_wait3A_177 = arith.constant 0 : i32
    %dma_wait3A_178 = arith.constant 0 : i32
    %dma_wait3A_179 = tpu.memref_slice %arg4[%dma_wait3A_177, %dma_wait3A_178] : memref<425984x32xf32, #tpu.memory_space<hbm>> -> memref<1664x32xf32, #tpu.memory_space<hbm>>
    tpu.wait_dma2 semaphore(%arg8 : memref<!tpu.dma_semaphore, #tpu.memory_space<semaphore_mem>>) src(%dma_wait3A_179 : memref<1664x32xf32, #tpu.memory_space<hbm>>) dst(%dma_wait3A_176 : memref<1664x32xf32, #tpu.memory_space<vmem>>)
    %add3A_180 = arith.constant 4992 : i32
    %add3A_181 = arith.addi %mul3A_2, %add3A_180 : i32
    %dma_start3A_182 = arith.constant 1 : i32
    %dma_start3A_183 = arith.constant 0 : i32
    %dma_start3A_184 = arith.constant 0 : i32
    %dma_start3A_185 = tpu.memref_slice %arg6[%dma_start3A_182, %dma_start3A_183, %dma_start3A_184] : memref<2x1664x32xf32, #tpu.memory_space<vmem>> -> memref<1x1664x32xf32, #tpu.memory_space<vmem>>
    %dma_start3A_186 = tpu.memref_squeeze %dma_start3A_185 : memref<1x1664x32xf32, #tpu.memory_space<vmem>> -> memref<1664x32xf32, #tpu.memory_space<vmem>>
    %dma_start3A_187 = arith.constant 0 : i32
    %dma_start3A_188 = tpu.memref_slice %arg4[%add3A_181, %dma_start3A_187] : memref<425984x32xf32, #tpu.memory_space<hbm>> -> memref<1664x32xf32, #tpu.memory_space<hbm>>
    %dma_start3A_189 = arith.constant 0 : i32
    %dma_start3A_190 = tpu.memref_slice %arg4[%add3A_181, %dma_start3A_189] : memref<425984x32xf32, #tpu.memory_space<hbm>> -> memref<1664x32xf32, #tpu.memory_space<hbm>>
    %dma_start3A_191 = arith.constant 0 : i32
    %dma_start3A_192 = arith.constant 0 : i32
    %dma_start3A_193 = tpu.memref_slice %arg6[%dma_start3A_182, %dma_start3A_191, %dma_start3A_192] : memref<2x1664x32xf32, #tpu.memory_space<vmem>> -> memref<1x1664x32xf32, #tpu.memory_space<vmem>>
    %dma_start3A_194 = tpu.memref_squeeze %dma_start3A_193 : memref<1x1664x32xf32, #tpu.memory_space<vmem>> -> memref<1664x32xf32, #tpu.memory_space<vmem>>
    tpu.enqueue_dma source(%dma_start3A_194 : memref<1664x32xf32, #tpu.memory_space<vmem>>) target(%dma_start3A_190 : memref<1664x32xf32, #tpu.memory_space<hbm>>) target_semaphore(%arg10 : memref<!tpu.dma_semaphore, #tpu.memory_space<semaphore_mem>>)
    %dma_wait3A_195 = arith.constant 1 : i32
    %dma_wait3A_196 = arith.constant 0 : i32
    %dma_wait3A_197 = arith.constant 0 : i32
    %dma_wait3A_198 = tpu.memref_slice %arg6[%dma_wait3A_195, %dma_wait3A_196, %dma_wait3A_197] : memref<2x1664x32xf32, #tpu.memory_space<vmem>> -> memref<1x1664x32xf32, #tpu.memory_space<vmem>>
    %dma_wait3A_199 = tpu.memref_squeeze %dma_wait3A_198 : memref<1x1664x32xf32, #tpu.memory_space<vmem>> -> memref<1664x32xf32, #tpu.memory_space<vmem>>
    %dma_wait3A_200 = arith.constant 0 : i32
    %dma_wait3A_201 = arith.constant 0 : i32
    %dma_wait3A_202 = tpu.memref_slice %arg4[%dma_wait3A_200, %dma_wait3A_201] : memref<425984x32xf32, #tpu.memory_space<hbm>> -> memref<1664x32xf32, #tpu.memory_space<hbm>>
    %dma_wait3A_203 = arith.constant 0 : i32
    %dma_wait3A_204 = arith.constant 0 : i32
    %dma_wait3A_205 = tpu.memref_slice %arg4[%dma_wait3A_203, %dma_wait3A_204] : memref<425984x32xf32, #tpu.memory_space<hbm>> -> memref<1664x32xf32, #tpu.memory_space<hbm>>
    %dma_wait3A_206 = arith.constant 0 : i32
    %dma_wait3A_207 = arith.constant 0 : i32
    %dma_wait3A_208 = tpu.memref_slice %arg6[%dma_wait3A_195, %dma_wait3A_206, %dma_wait3A_207] : memref<2x1664x32xf32, #tpu.memory_space<vmem>> -> memref<1x1664x32xf32, #tpu.memory_space<vmem>>
    %dma_wait3A_209 = tpu.memref_squeeze %dma_wait3A_208 : memref<1x1664x32xf32, #tpu.memory_space<vmem>> -> memref<1664x32xf32, #tpu.memory_space<vmem>>
    tpu.wait_dma2 semaphore(%arg10 : memref<!tpu.dma_semaphore, #tpu.memory_space<semaphore_mem>>) src(%dma_wait3A_209 : memref<1664x32xf32, #tpu.memory_space<vmem>>) dst(%dma_wait3A_205 : memref<1664x32xf32, #tpu.memory_space<hbm>>)
    %scan3A_210 = arith.constant 0 : i32
    %scan3A_211 = arith.constant 0 : i32
    %scan3A_212 = arith.constant 13 : i32
    %scan3A_213 = arith.addi %scan3A_211, %scan3A_212 : i32
    %scan3A_214 = arith.constant 1 : i32
    scf.for %scan3A_408 = %scan3A_211 to %scan3A_213 step %scan3A_214  : i32 {
      %mul3A_409 = arith.constant 128 : i32
      %mul3A_410 = arith.muli %scan3A_408, %mul3A_409 : i32
      %add3A_411 = arith.constant 8320 : i32
      %add3A_412 = arith.addi %add3A_411, %mul3A_410 : i32
      %mul3A_413 = arith.constant 128 : i32
      %mul3A_414 = arith.muli %scan3A_408, %mul3A_413 : i32
      %dma_start3A_415 = arith.constant 1 : i32
      %dma_start3A_416 = arith.constant 0 : i32
      %dma_start3A_417 = arith.constant 0 : i32
      %dma_start3A_418 = tpu.memref_slice %arg6[%dma_start3A_415, %dma_start3A_416, %dma_start3A_417] : memref<2x1664x32xf32, #tpu.memory_space<vmem>> -> memref<1x1664x32xf32, #tpu.memory_space<vmem>>
      %dma_start3A_419 = tpu.memref_squeeze %dma_start3A_418 : memref<1x1664x32xf32, #tpu.memory_space<vmem>> -> memref<1664x32xf32, #tpu.memory_space<vmem>>
      %dma_start3A_420 = arith.constant 0 : i32
      %dma_start3A_421 = tpu.memref_slice %dma_start3A_419[%mul3A_414, %dma_start3A_420] : memref<1664x32xf32, #tpu.memory_space<vmem>> -> memref<128x32xf32, #tpu.memory_space<vmem>>
      %dma_start3A_422 = tpu.memref_slice %arg5[%add3A_412] : memref<13312xi32, #tpu.memory_space<vmem>> -> memref<128xi32, #tpu.memory_space<vmem>>
      %dma_start3A_423 = arith.constant 0 : i32
      %dma_start3A_424 = arith.constant 0 : i32
      %dma_start3A_425 = tpu.memref_slice %arg3[%dma_start3A_423, %dma_start3A_424] : memref<1000000x32xf32, #tpu.memory_space<hbm>> -> memref<1000000x32xf32, #tpu.memory_space<hbm>>
      tpu.enqueue_indirect_dma source(%dma_start3A_425 : memref<1000000x32xf32, #tpu.memory_space<hbm>>) target(%dma_start3A_421 : memref<128x32xf32, #tpu.memory_space<vmem>>) offsets(%dma_start3A_422 : memref<128xi32, #tpu.memory_space<vmem>>) semaphore(%arg8 : memref<!tpu.dma_semaphore, #tpu.memory_space<semaphore_mem>>)
    }
    %scan3A_215 = arith.constant 13 : i32
    %dma_wait3A_216 = arith.constant 0 : i32
    %dma_wait3A_217 = arith.constant 0 : i32
    %dma_wait3A_218 = arith.constant 0 : i32
    %dma_wait3A_219 = tpu.memref_slice %arg6[%dma_wait3A_216, %dma_wait3A_217, %dma_wait3A_218] : memref<2x1664x32xf32, #tpu.memory_space<vmem>> -> memref<1x1664x32xf32, #tpu.memory_space<vmem>>
    %dma_wait3A_220 = tpu.memref_squeeze %dma_wait3A_219 : memref<1x1664x32xf32, #tpu.memory_space<vmem>> -> memref<1664x32xf32, #tpu.memory_space<vmem>>
    %dma_wait3A_221 = arith.constant 0 : i32
    %dma_wait3A_222 = arith.constant 0 : i32
    %dma_wait3A_223 = tpu.memref_slice %arg4[%dma_wait3A_221, %dma_wait3A_222] : memref<425984x32xf32, #tpu.memory_space<hbm>> -> memref<1664x32xf32, #tpu.memory_space<hbm>>
    %dma_wait3A_224 = arith.constant 0 : i32
    %dma_wait3A_225 = arith.constant 0 : i32
    %dma_wait3A_226 = tpu.memref_slice %arg6[%dma_wait3A_216, %dma_wait3A_224, %dma_wait3A_225] : memref<2x1664x32xf32, #tpu.memory_space<vmem>> -> memref<1x1664x32xf32, #tpu.memory_space<vmem>>
    %dma_wait3A_227 = tpu.memref_squeeze %dma_wait3A_226 : memref<1x1664x32xf32, #tpu.memory_space<vmem>> -> memref<1664x32xf32, #tpu.memory_space<vmem>>
    %dma_wait3A_228 = arith.constant 0 : i32
    %dma_wait3A_229 = arith.constant 0 : i32
    %dma_wait3A_230 = tpu.memref_slice %arg4[%dma_wait3A_228, %dma_wait3A_229] : memref<425984x32xf32, #tpu.memory_space<hbm>> -> memref<1664x32xf32, #tpu.memory_space<hbm>>
    tpu.wait_dma2 semaphore(%arg7 : memref<!tpu.dma_semaphore, #tpu.memory_space<semaphore_mem>>) src(%dma_wait3A_230 : memref<1664x32xf32, #tpu.memory_space<hbm>>) dst(%dma_wait3A_227 : memref<1664x32xf32, #tpu.memory_space<vmem>>)
    %add3A_231 = arith.constant 6656 : i32
    %add3A_232 = arith.addi %mul3A_2, %add3A_231 : i32
    %dma_start3A_233 = arith.constant 0 : i32
    %dma_start3A_234 = arith.constant 0 : i32
    %dma_start3A_235 = arith.constant 0 : i32
    %dma_start3A_236 = tpu.memref_slice %arg6[%dma_start3A_233, %dma_start3A_234, %dma_start3A_235] : memref<2x1664x32xf32, #tpu.memory_space<vmem>> -> memref<1x1664x32xf32, #tpu.memory_space<vmem>>
    %dma_start3A_237 = tpu.memref_squeeze %dma_start3A_236 : memref<1x1664x32xf32, #tpu.memory_space<vmem>> -> memref<1664x32xf32, #tpu.memory_space<vmem>>
    %dma_start3A_238 = arith.constant 0 : i32
    %dma_start3A_239 = tpu.memref_slice %arg4[%add3A_232, %dma_start3A_238] : memref<425984x32xf32, #tpu.memory_space<hbm>> -> memref<1664x32xf32, #tpu.memory_space<hbm>>
    %dma_start3A_240 = arith.constant 0 : i32
    %dma_start3A_241 = tpu.memref_slice %arg4[%add3A_232, %dma_start3A_240] : memref<425984x32xf32, #tpu.memory_space<hbm>> -> memref<1664x32xf32, #tpu.memory_space<hbm>>
    %dma_start3A_242 = arith.constant 0 : i32
    %dma_start3A_243 = arith.constant 0 : i32
    %dma_start3A_244 = tpu.memref_slice %arg6[%dma_start3A_233, %dma_start3A_242, %dma_start3A_243] : memref<2x1664x32xf32, #tpu.memory_space<vmem>> -> memref<1x1664x32xf32, #tpu.memory_space<vmem>>
    %dma_start3A_245 = tpu.memref_squeeze %dma_start3A_244 : memref<1x1664x32xf32, #tpu.memory_space<vmem>> -> memref<1664x32xf32, #tpu.memory_space<vmem>>
    tpu.enqueue_dma source(%dma_start3A_245 : memref<1664x32xf32, #tpu.memory_space<vmem>>) target(%dma_start3A_241 : memref<1664x32xf32, #tpu.memory_space<hbm>>) target_semaphore(%arg9 : memref<!tpu.dma_semaphore, #tpu.memory_space<semaphore_mem>>)
    %dma_wait3A_246 = arith.constant 0 : i32
    %dma_wait3A_247 = arith.constant 0 : i32
    %dma_wait3A_248 = arith.constant 0 : i32
    %dma_wait3A_249 = tpu.memref_slice %arg6[%dma_wait3A_246, %dma_wait3A_247, %dma_wait3A_248] : memref<2x1664x32xf32, #tpu.memory_space<vmem>> -> memref<1x1664x32xf32, #tpu.memory_space<vmem>>
    %dma_wait3A_250 = tpu.memref_squeeze %dma_wait3A_249 : memref<1x1664x32xf32, #tpu.memory_space<vmem>> -> memref<1664x32xf32, #tpu.memory_space<vmem>>
    %dma_wait3A_251 = arith.constant 0 : i32
    %dma_wait3A_252 = arith.constant 0 : i32
    %dma_wait3A_253 = tpu.memref_slice %arg4[%dma_wait3A_251, %dma_wait3A_252] : memref<425984x32xf32, #tpu.memory_space<hbm>> -> memref<1664x32xf32, #tpu.memory_space<hbm>>
    %dma_wait3A_254 = arith.constant 0 : i32
    %dma_wait3A_255 = arith.constant 0 : i32
    %dma_wait3A_256 = tpu.memref_slice %arg4[%dma_wait3A_254, %dma_wait3A_255] : memref<425984x32xf32, #tpu.memory_space<hbm>> -> memref<1664x32xf32, #tpu.memory_space<hbm>>
    %dma_wait3A_257 = arith.constant 0 : i32
    %dma_wait3A_258 = arith.constant 0 : i32
    %dma_wait3A_259 = tpu.memref_slice %arg6[%dma_wait3A_246, %dma_wait3A_257, %dma_wait3A_258] : memref<2x1664x32xf32, #tpu.memory_space<vmem>> -> memref<1x1664x32xf32, #tpu.memory_space<vmem>>
    %dma_wait3A_260 = tpu.memref_squeeze %dma_wait3A_259 : memref<1x1664x32xf32, #tpu.memory_space<vmem>> -> memref<1664x32xf32, #tpu.memory_space<vmem>>
    tpu.wait_dma2 semaphore(%arg9 : memref<!tpu.dma_semaphore, #tpu.memory_space<semaphore_mem>>) src(%dma_wait3A_260 : memref<1664x32xf32, #tpu.memory_space<vmem>>) dst(%dma_wait3A_256 : memref<1664x32xf32, #tpu.memory_space<hbm>>)
    %scan3A_261 = arith.constant 0 : i32
    %scan3A_262 = arith.constant 0 : i32
    %scan3A_263 = arith.constant 13 : i32
    %scan3A_264 = arith.addi %scan3A_262, %scan3A_263 : i32
    %scan3A_265 = arith.constant 1 : i32
    scf.for %scan3A_408 = %scan3A_262 to %scan3A_264 step %scan3A_265  : i32 {
      %mul3A_409 = arith.constant 128 : i32
      %mul3A_410 = arith.muli %scan3A_408, %mul3A_409 : i32
      %add3A_411 = arith.constant 9984 : i32
      %add3A_412 = arith.addi %add3A_411, %mul3A_410 : i32
      %mul3A_413 = arith.constant 128 : i32
      %mul3A_414 = arith.muli %scan3A_408, %mul3A_413 : i32
      %dma_start3A_415 = arith.constant 0 : i32
      %dma_start3A_416 = arith.constant 0 : i32
      %dma_start3A_417 = arith.constant 0 : i32
      %dma_start3A_418 = tpu.memref_slice %arg6[%dma_start3A_415, %dma_start3A_416, %dma_start3A_417] : memref<2x1664x32xf32, #tpu.memory_space<vmem>> -> memref<1x1664x32xf32, #tpu.memory_space<vmem>>
      %dma_start3A_419 = tpu.memref_squeeze %dma_start3A_418 : memref<1x1664x32xf32, #tpu.memory_space<vmem>> -> memref<1664x32xf32, #tpu.memory_space<vmem>>
      %dma_start3A_420 = arith.constant 0 : i32
      %dma_start3A_421 = tpu.memref_slice %dma_start3A_419[%mul3A_414, %dma_start3A_420] : memref<1664x32xf32, #tpu.memory_space<vmem>> -> memref<128x32xf32, #tpu.memory_space<vmem>>
      %dma_start3A_422 = tpu.memref_slice %arg5[%add3A_412] : memref<13312xi32, #tpu.memory_space<vmem>> -> memref<128xi32, #tpu.memory_space<vmem>>
      %dma_start3A_423 = arith.constant 0 : i32
      %dma_start3A_424 = arith.constant 0 : i32
      %dma_start3A_425 = tpu.memref_slice %arg3[%dma_start3A_423, %dma_start3A_424] : memref<1000000x32xf32, #tpu.memory_space<hbm>> -> memref<1000000x32xf32, #tpu.memory_space<hbm>>
      tpu.enqueue_indirect_dma source(%dma_start3A_425 : memref<1000000x32xf32, #tpu.memory_space<hbm>>) target(%dma_start3A_421 : memref<128x32xf32, #tpu.memory_space<vmem>>) offsets(%dma_start3A_422 : memref<128xi32, #tpu.memory_space<vmem>>) semaphore(%arg7 : memref<!tpu.dma_semaphore, #tpu.memory_space<semaphore_mem>>)
    }
    %scan3A_266 = arith.constant 13 : i32
    %dma_wait3A_267 = arith.constant 1 : i32
    %dma_wait3A_268 = arith.constant 0 : i32
    %dma_wait3A_269 = arith.constant 0 : i32
    %dma_wait3A_270 = tpu.memref_slice %arg6[%dma_wait3A_267, %dma_wait3A_268, %dma_wait3A_269] : memref<2x1664x32xf32, #tpu.memory_space<vmem>> -> memref<1x1664x32xf32, #tpu.memory_space<vmem>>
    %dma_wait3A_271 = tpu.memref_squeeze %dma_wait3A_270 : memref<1x1664x32xf32, #tpu.memory_space<vmem>> -> memref<1664x32xf32, #tpu.memory_space<vmem>>
    %dma_wait3A_272 = arith.constant 0 : i32
    %dma_wait3A_273 = arith.constant 0 : i32
    %dma_wait3A_274 = tpu.memref_slice %arg4[%dma_wait3A_272, %dma_wait3A_273] : memref<425984x32xf32, #tpu.memory_space<hbm>> -> memref<1664x32xf32, #tpu.memory_space<hbm>>
    %dma_wait3A_275 = arith.constant 0 : i32
    %dma_wait3A_276 = arith.constant 0 : i32
    %dma_wait3A_277 = tpu.memref_slice %arg6[%dma_wait3A_267, %dma_wait3A_275, %dma_wait3A_276] : memref<2x1664x32xf32, #tpu.memory_space<vmem>> -> memref<1x1664x32xf32, #tpu.memory_space<vmem>>
    %dma_wait3A_278 = tpu.memref_squeeze %dma_wait3A_277 : memref<1x1664x32xf32, #tpu.memory_space<vmem>> -> memref<1664x32xf32, #tpu.memory_space<vmem>>
    %dma_wait3A_279 = arith.constant 0 : i32
    %dma_wait3A_280 = arith.constant 0 : i32
    %dma_wait3A_281 = tpu.memref_slice %arg4[%dma_wait3A_279, %dma_wait3A_280] : memref<425984x32xf32, #tpu.memory_space<hbm>> -> memref<1664x32xf32, #tpu.memory_space<hbm>>
    tpu.wait_dma2 semaphore(%arg8 : memref<!tpu.dma_semaphore, #tpu.memory_space<semaphore_mem>>) src(%dma_wait3A_281 : memref<1664x32xf32, #tpu.memory_space<hbm>>) dst(%dma_wait3A_278 : memref<1664x32xf32, #tpu.memory_space<vmem>>)
    %add3A_282 = arith.constant 8320 : i32
    %add3A_283 = arith.addi %mul3A_2, %add3A_282 : i32
    %dma_start3A_284 = arith.constant 1 : i32
    %dma_start3A_285 = arith.constant 0 : i32
    %dma_start3A_286 = arith.constant 0 : i32
    %dma_start3A_287 = tpu.memref_slice %arg6[%dma_start3A_284, %dma_start3A_285, %dma_start3A_286] : memref<2x1664x32xf32, #tpu.memory_space<vmem>> -> memref<1x1664x32xf32, #tpu.memory_space<vmem>>
    %dma_start3A_288 = tpu.memref_squeeze %dma_start3A_287 : memref<1x1664x32xf32, #tpu.memory_space<vmem>> -> memref<1664x32xf32, #tpu.memory_space<vmem>>
    %dma_start3A_289 = arith.constant 0 : i32
    %dma_start3A_290 = tpu.memref_slice %arg4[%add3A_283, %dma_start3A_289] : memref<425984x32xf32, #tpu.memory_space<hbm>> -> memref<1664x32xf32, #tpu.memory_space<hbm>>
    %dma_start3A_291 = arith.constant 0 : i32
    %dma_start3A_292 = tpu.memref_slice %arg4[%add3A_283, %dma_start3A_291] : memref<425984x32xf32, #tpu.memory_space<hbm>> -> memref<1664x32xf32, #tpu.memory_space<hbm>>
    %dma_start3A_293 = arith.constant 0 : i32
    %dma_start3A_294 = arith.constant 0 : i32
    %dma_start3A_295 = tpu.memref_slice %arg6[%dma_start3A_284, %dma_start3A_293, %dma_start3A_294] : memref<2x1664x32xf32, #tpu.memory_space<vmem>> -> memref<1x1664x32xf32, #tpu.memory_space<vmem>>
    %dma_start3A_296 = tpu.memref_squeeze %dma_start3A_295 : memref<1x1664x32xf32, #tpu.memory_space<vmem>> -> memref<1664x32xf32, #tpu.memory_space<vmem>>
    tpu.enqueue_dma source(%dma_start3A_296 : memref<1664x32xf32, #tpu.memory_space<vmem>>) target(%dma_start3A_292 : memref<1664x32xf32, #tpu.memory_space<hbm>>) target_semaphore(%arg10 : memref<!tpu.dma_semaphore, #tpu.memory_space<semaphore_mem>>)
    %dma_wait3A_297 = arith.constant 1 : i32
    %dma_wait3A_298 = arith.constant 0 : i32
    %dma_wait3A_299 = arith.constant 0 : i32
    %dma_wait3A_300 = tpu.memref_slice %arg6[%dma_wait3A_297, %dma_wait3A_298, %dma_wait3A_299] : memref<2x1664x32xf32, #tpu.memory_space<vmem>> -> memref<1x1664x32xf32, #tpu.memory_space<vmem>>
    %dma_wait3A_301 = tpu.memref_squeeze %dma_wait3A_300 : memref<1x1664x32xf32, #tpu.memory_space<vmem>> -> memref<1664x32xf32, #tpu.memory_space<vmem>>
    %dma_wait3A_302 = arith.constant 0 : i32
    %dma_wait3A_303 = arith.constant 0 : i32
    %dma_wait3A_304 = tpu.memref_slice %arg4[%dma_wait3A_302, %dma_wait3A_303] : memref<425984x32xf32, #tpu.memory_space<hbm>> -> memref<1664x32xf32, #tpu.memory_space<hbm>>
    %dma_wait3A_305 = arith.constant 0 : i32
    %dma_wait3A_306 = arith.constant 0 : i32
    %dma_wait3A_307 = tpu.memref_slice %arg4[%dma_wait3A_305, %dma_wait3A_306] : memref<425984x32xf32, #tpu.memory_space<hbm>> -> memref<1664x32xf32, #tpu.memory_space<hbm>>
    %dma_wait3A_308 = arith.constant 0 : i32
    %dma_wait3A_309 = arith.constant 0 : i32
    %dma_wait3A_310 = tpu.memref_slice %arg6[%dma_wait3A_297, %dma_wait3A_308, %dma_wait3A_309] : memref<2x1664x32xf32, #tpu.memory_space<vmem>> -> memref<1x1664x32xf32, #tpu.memory_space<vmem>>
    %dma_wait3A_311 = tpu.memref_squeeze %dma_wait3A_310 : memref<1x1664x32xf32, #tpu.memory_space<vmem>> -> memref<1664x32xf32, #tpu.memory_space<vmem>>
    tpu.wait_dma2 semaphore(%arg10 : memref<!tpu.dma_semaphore, #tpu.memory_space<semaphore_mem>>) src(%dma_wait3A_311 : memref<1664x32xf32, #tpu.memory_space<vmem>>) dst(%dma_wait3A_307 : memref<1664x32xf32, #tpu.memory_space<hbm>>)
    %scan3A_312 = arith.constant 0 : i32
    %scan3A_313 = arith.constant 0 : i32
    %scan3A_314 = arith.constant 13 : i32
    %scan3A_315 = arith.addi %scan3A_313, %scan3A_314 : i32
    %scan3A_316 = arith.constant 1 : i32
    scf.for %scan3A_408 = %scan3A_313 to %scan3A_315 step %scan3A_316  : i32 {
      %mul3A_409 = arith.constant 128 : i32
      %mul3A_410 = arith.muli %scan3A_408, %mul3A_409 : i32
      %add3A_411 = arith.constant 11648 : i32
      %add3A_412 = arith.addi %add3A_411, %mul3A_410 : i32
      %mul3A_413 = arith.constant 128 : i32
      %mul3A_414 = arith.muli %scan3A_408, %mul3A_413 : i32
      %dma_start3A_415 = arith.constant 1 : i32
      %dma_start3A_416 = arith.constant 0 : i32
      %dma_start3A_417 = arith.constant 0 : i32
      %dma_start3A_418 = tpu.memref_slice %arg6[%dma_start3A_415, %dma_start3A_416, %dma_start3A_417] : memref<2x1664x32xf32, #tpu.memory_space<vmem>> -> memref<1x1664x32xf32, #tpu.memory_space<vmem>>
      %dma_start3A_419 = tpu.memref_squeeze %dma_start3A_418 : memref<1x1664x32xf32, #tpu.memory_space<vmem>> -> memref<1664x32xf32, #tpu.memory_space<vmem>>
      %dma_start3A_420 = arith.constant 0 : i32
      %dma_start3A_421 = tpu.memref_slice %dma_start3A_419[%mul3A_414, %dma_start3A_420] : memref<1664x32xf32, #tpu.memory_space<vmem>> -> memref<128x32xf32, #tpu.memory_space<vmem>>
      %dma_start3A_422 = tpu.memref_slice %arg5[%add3A_412] : memref<13312xi32, #tpu.memory_space<vmem>> -> memref<128xi32, #tpu.memory_space<vmem>>
      %dma_start3A_423 = arith.constant 0 : i32
      %dma_start3A_424 = arith.constant 0 : i32
      %dma_start3A_425 = tpu.memref_slice %arg3[%dma_start3A_423, %dma_start3A_424] : memref<1000000x32xf32, #tpu.memory_space<hbm>> -> memref<1000000x32xf32, #tpu.memory_space<hbm>>
      tpu.enqueue_indirect_dma source(%dma_start3A_425 : memref<1000000x32xf32, #tpu.memory_space<hbm>>) target(%dma_start3A_421 : memref<128x32xf32, #tpu.memory_space<vmem>>) offsets(%dma_start3A_422 : memref<128xi32, #tpu.memory_space<vmem>>) semaphore(%arg8 : memref<!tpu.dma_semaphore, #tpu.memory_space<semaphore_mem>>)
    }
    %scan3A_317 = arith.constant 13 : i32
    %dma_wait3A_318 = arith.constant 0 : i32
    %dma_wait3A_319 = arith.constant 0 : i32
    %dma_wait3A_320 = arith.constant 0 : i32
    %dma_wait3A_321 = tpu.memref_slice %arg6[%dma_wait3A_318, %dma_wait3A_319, %dma_wait3A_320] : memref<2x1664x32xf32, #tpu.memory_space<vmem>> -> memref<1x1664x32xf32, #tpu.memory_space<vmem>>
    %dma_wait3A_322 = tpu.memref_squeeze %dma_wait3A_321 : memref<1x1664x32xf32, #tpu.memory_space<vmem>> -> memref<1664x32xf32, #tpu.memory_space<vmem>>
    %dma_wait3A_323 = arith.constant 0 : i32
    %dma_wait3A_324 = arith.constant 0 : i32
    %dma_wait3A_325 = tpu.memref_slice %arg4[%dma_wait3A_323, %dma_wait3A_324] : memref<425984x32xf32, #tpu.memory_space<hbm>> -> memref<1664x32xf32, #tpu.memory_space<hbm>>
    %dma_wait3A_326 = arith.constant 0 : i32
    %dma_wait3A_327 = arith.constant 0 : i32
    %dma_wait3A_328 = tpu.memref_slice %arg6[%dma_wait3A_318, %dma_wait3A_326, %dma_wait3A_327] : memref<2x1664x32xf32, #tpu.memory_space<vmem>> -> memref<1x1664x32xf32, #tpu.memory_space<vmem>>
    %dma_wait3A_329 = tpu.memref_squeeze %dma_wait3A_328 : memref<1x1664x32xf32, #tpu.memory_space<vmem>> -> memref<1664x32xf32, #tpu.memory_space<vmem>>
    %dma_wait3A_330 = arith.constant 0 : i32
    %dma_wait3A_331 = arith.constant 0 : i32
    %dma_wait3A_332 = tpu.memref_slice %arg4[%dma_wait3A_330, %dma_wait3A_331] : memref<425984x32xf32, #tpu.memory_space<hbm>> -> memref<1664x32xf32, #tpu.memory_space<hbm>>
    tpu.wait_dma2 semaphore(%arg7 : memref<!tpu.dma_semaphore, #tpu.memory_space<semaphore_mem>>) src(%dma_wait3A_332 : memref<1664x32xf32, #tpu.memory_space<hbm>>) dst(%dma_wait3A_329 : memref<1664x32xf32, #tpu.memory_space<vmem>>)
    %add3A_333 = arith.constant 9984 : i32
    %add3A_334 = arith.addi %mul3A_2, %add3A_333 : i32
    %dma_start3A_335 = arith.constant 0 : i32
    %dma_start3A_336 = arith.constant 0 : i32
    %dma_start3A_337 = arith.constant 0 : i32
    %dma_start3A_338 = tpu.memref_slice %arg6[%dma_start3A_335, %dma_start3A_336, %dma_start3A_337] : memref<2x1664x32xf32, #tpu.memory_space<vmem>> -> memref<1x1664x32xf32, #tpu.memory_space<vmem>>
    %dma_start3A_339 = tpu.memref_squeeze %dma_start3A_338 : memref<1x1664x32xf32, #tpu.memory_space<vmem>> -> memref<1664x32xf32, #tpu.memory_space<vmem>>
    %dma_start3A_340 = arith.constant 0 : i32
    %dma_start3A_341 = tpu.memref_slice %arg4[%add3A_334, %dma_start3A_340] : memref<425984x32xf32, #tpu.memory_space<hbm>> -> memref<1664x32xf32, #tpu.memory_space<hbm>>
    %dma_start3A_342 = arith.constant 0 : i32
    %dma_start3A_343 = tpu.memref_slice %arg4[%add3A_334, %dma_start3A_342] : memref<425984x32xf32, #tpu.memory_space<hbm>> -> memref<1664x32xf32, #tpu.memory_space<hbm>>
    %dma_start3A_344 = arith.constant 0 : i32
    %dma_start3A_345 = arith.constant 0 : i32
    %dma_start3A_346 = tpu.memref_slice %arg6[%dma_start3A_335, %dma_start3A_344, %dma_start3A_345] : memref<2x1664x32xf32, #tpu.memory_space<vmem>> -> memref<1x1664x32xf32, #tpu.memory_space<vmem>>
    %dma_start3A_347 = tpu.memref_squeeze %dma_start3A_346 : memref<1x1664x32xf32, #tpu.memory_space<vmem>> -> memref<1664x32xf32, #tpu.memory_space<vmem>>
    tpu.enqueue_dma source(%dma_start3A_347 : memref<1664x32xf32, #tpu.memory_space<vmem>>) target(%dma_start3A_343 : memref<1664x32xf32, #tpu.memory_space<hbm>>) target_semaphore(%arg9 : memref<!tpu.dma_semaphore, #tpu.memory_space<semaphore_mem>>)
    %dma_wait3A_348 = arith.constant 1 : i32
    %dma_wait3A_349 = arith.constant 0 : i32
    %dma_wait3A_350 = arith.constant 0 : i32
    %dma_wait3A_351 = tpu.memref_slice %arg6[%dma_wait3A_348, %dma_wait3A_349, %dma_wait3A_350] : memref<2x1664x32xf32, #tpu.memory_space<vmem>> -> memref<1x1664x32xf32, #tpu.memory_space<vmem>>
    %dma_wait3A_352 = tpu.memref_squeeze %dma_wait3A_351 : memref<1x1664x32xf32, #tpu.memory_space<vmem>> -> memref<1664x32xf32, #tpu.memory_space<vmem>>
    %dma_wait3A_353 = arith.constant 0 : i32
    %dma_wait3A_354 = arith.constant 0 : i32
    %dma_wait3A_355 = tpu.memref_slice %arg4[%dma_wait3A_353, %dma_wait3A_354] : memref<425984x32xf32, #tpu.memory_space<hbm>> -> memref<1664x32xf32, #tpu.memory_space<hbm>>
    %dma_wait3A_356 = arith.constant 0 : i32
    %dma_wait3A_357 = arith.constant 0 : i32
    %dma_wait3A_358 = tpu.memref_slice %arg6[%dma_wait3A_348, %dma_wait3A_356, %dma_wait3A_357] : memref<2x1664x32xf32, #tpu.memory_space<vmem>> -> memref<1x1664x32xf32, #tpu.memory_space<vmem>>
    %dma_wait3A_359 = tpu.memref_squeeze %dma_wait3A_358 : memref<1x1664x32xf32, #tpu.memory_space<vmem>> -> memref<1664x32xf32, #tpu.memory_space<vmem>>
    %dma_wait3A_360 = arith.constant 0 : i32
    %dma_wait3A_361 = arith.constant 0 : i32
    %dma_wait3A_362 = tpu.memref_slice %arg4[%dma_wait3A_360, %dma_wait3A_361] : memref<425984x32xf32, #tpu.memory_space<hbm>> -> memref<1664x32xf32, #tpu.memory_space<hbm>>
    tpu.wait_dma2 semaphore(%arg8 : memref<!tpu.dma_semaphore, #tpu.memory_space<semaphore_mem>>) src(%dma_wait3A_362 : memref<1664x32xf32, #tpu.memory_space<hbm>>) dst(%dma_wait3A_359 : memref<1664x32xf32, #tpu.memory_space<vmem>>)
    %add3A_363 = arith.constant 11648 : i32
    %add3A_364 = arith.addi %mul3A_2, %add3A_363 : i32
    %dma_start3A_365 = arith.constant 1 : i32
    %dma_start3A_366 = arith.constant 0 : i32
    %dma_start3A_367 = arith.constant 0 : i32
    %dma_start3A_368 = tpu.memref_slice %arg6[%dma_start3A_365, %dma_start3A_366, %dma_start3A_367] : memref<2x1664x32xf32, #tpu.memory_space<vmem>> -> memref<1x1664x32xf32, #tpu.memory_space<vmem>>
    %dma_start3A_369 = tpu.memref_squeeze %dma_start3A_368 : memref<1x1664x32xf32, #tpu.memory_space<vmem>> -> memref<1664x32xf32, #tpu.memory_space<vmem>>
    %dma_start3A_370 = arith.constant 0 : i32
    %dma_start3A_371 = tpu.memref_slice %arg4[%add3A_364, %dma_start3A_370] : memref<425984x32xf32, #tpu.memory_space<hbm>> -> memref<1664x32xf32, #tpu.memory_space<hbm>>
    %dma_start3A_372 = arith.constant 0 : i32
    %dma_start3A_373 = tpu.memref_slice %arg4[%add3A_364, %dma_start3A_372] : memref<425984x32xf32, #tpu.memory_space<hbm>> -> memref<1664x32xf32, #tpu.memory_space<hbm>>
    %dma_start3A_374 = arith.constant 0 : i32
    %dma_start3A_375 = arith.constant 0 : i32
    %dma_start3A_376 = tpu.memref_slice %arg6[%dma_start3A_365, %dma_start3A_374, %dma_start3A_375] : memref<2x1664x32xf32, #tpu.memory_space<vmem>> -> memref<1x1664x32xf32, #tpu.memory_space<vmem>>
    %dma_start3A_377 = tpu.memref_squeeze %dma_start3A_376 : memref<1x1664x32xf32, #tpu.memory_space<vmem>> -> memref<1664x32xf32, #tpu.memory_space<vmem>>
    tpu.enqueue_dma source(%dma_start3A_377 : memref<1664x32xf32, #tpu.memory_space<vmem>>) target(%dma_start3A_373 : memref<1664x32xf32, #tpu.memory_space<hbm>>) target_semaphore(%arg10 : memref<!tpu.dma_semaphore, #tpu.memory_space<semaphore_mem>>)
    %dma_wait3A_378 = arith.constant 0 : i32
    %dma_wait3A_379 = arith.constant 0 : i32
    %dma_wait3A_380 = arith.constant 0 : i32
    %dma_wait3A_381 = tpu.memref_slice %arg6[%dma_wait3A_378, %dma_wait3A_379, %dma_wait3A_380] : memref<2x1664x32xf32, #tpu.memory_space<vmem>> -> memref<1x1664x32xf32, #tpu.memory_space<vmem>>
    %dma_wait3A_382 = tpu.memref_squeeze %dma_wait3A_381 : memref<1x1664x32xf32, #tpu.memory_space<vmem>> -> memref<1664x32xf32, #tpu.memory_space<vmem>>
    %dma_wait3A_383 = arith.constant 0 : i32
    %dma_wait3A_384 = arith.constant 0 : i32
    %dma_wait3A_385 = tpu.memref_slice %arg4[%dma_wait3A_383, %dma_wait3A_384] : memref<425984x32xf32, #tpu.memory_space<hbm>> -> memref<1664x32xf32, #tpu.memory_space<hbm>>
    %dma_wait3A_386 = arith.constant 0 : i32
    %dma_wait3A_387 = arith.constant 0 : i32
    %dma_wait3A_388 = tpu.memref_slice %arg4[%dma_wait3A_386, %dma_wait3A_387] : memref<425984x32xf32, #tpu.memory_space<hbm>> -> memref<1664x32xf32, #tpu.memory_space<hbm>>
    %dma_wait3A_389 = arith.constant 0 : i32
    %dma_wait3A_390 = arith.constant 0 : i32
    %dma_wait3A_391 = tpu.memref_slice %arg6[%dma_wait3A_378, %dma_wait3A_389, %dma_wait3A_390] : memref<2x1664x32xf32, #tpu.memory_space<vmem>> -> memref<1x1664x32xf32, #tpu.memory_space<vmem>>
    %dma_wait3A_392 = tpu.memref_squeeze %dma_wait3A_391 : memref<1x1664x32xf32, #tpu.memory_space<vmem>> -> memref<1664x32xf32, #tpu.memory_space<vmem>>
    tpu.wait_dma2 semaphore(%arg9 : memref<!tpu.dma_semaphore, #tpu.memory_space<semaphore_mem>>) src(%dma_wait3A_392 : memref<1664x32xf32, #tpu.memory_space<vmem>>) dst(%dma_wait3A_388 : memref<1664x32xf32, #tpu.memory_space<hbm>>)
    %dma_wait3A_393 = arith.constant 1 : i32
    %dma_wait3A_394 = arith.constant 0 : i32
    %dma_wait3A_395 = arith.constant 0 : i32
    %dma_wait3A_396 = tpu.memref_slice %arg6[%dma_wait3A_393, %dma_wait3A_394, %dma_wait3A_395] : memref<2x1664x32xf32, #tpu.memory_space<vmem>> -> memref<1x1664x32xf32, #tpu.memory_space<vmem>>
    %dma_wait3A_397 = tpu.memref_squeeze %dma_wait3A_396 : memref<1x1664x32xf32, #tpu.memory_space<vmem>> -> memref<1664x32xf32, #tpu.memory_space<vmem>>
    %dma_wait3A_398 = arith.constant 0 : i32
    %dma_wait3A_399 = arith.constant 0 : i32
    %dma_wait3A_400 = tpu.memref_slice %arg4[%dma_wait3A_398, %dma_wait3A_399] : memref<425984x32xf32, #tpu.memory_space<hbm>> -> memref<1664x32xf32, #tpu.memory_space<hbm>>
    %dma_wait3A_401 = arith.constant 0 : i32
    %dma_wait3A_402 = arith.constant 0 : i32
    %dma_wait3A_403 = tpu.memref_slice %arg4[%dma_wait3A_401, %dma_wait3A_402] : memref<425984x32xf32, #tpu.memory_space<hbm>> -> memref<1664x32xf32, #tpu.memory_space<hbm>>
    %dma_wait3A_404 = arith.constant 0 : i32
    %dma_wait3A_405 = arith.constant 0 : i32
    %dma_wait3A_406 = tpu.memref_slice %arg6[%dma_wait3A_393, %dma_wait3A_404, %dma_wait3A_405] : memref<2x1664x32xf32, #tpu.memory_space<vmem>> -> memref<1x1664x32xf32, #tpu.memory_space<vmem>>
    %dma_wait3A_407 = tpu.memref_squeeze %dma_wait3A_406 : memref<1x1664x32xf32, #tpu.memory_space<vmem>> -> memref<1664x32xf32, #tpu.memory_space<vmem>>
    tpu.wait_dma2 semaphore(%arg10 : memref<!tpu.dma_semaphore, #tpu.memory_space<semaphore_mem>>) src(%dma_wait3A_407 : memref<1664x32xf32, #tpu.memory_space<vmem>>) dst(%dma_wait3A_403 : memref<1664x32xf32, #tpu.memory_space<hbm>>)
    return
  }
}

</mosaic_0001>

<sc_bundles>
// kernel: kernel.3.cloned.1.call-start
scs
__scs_entry_jumppad:
0x0: {  	(pc) =	sbr.rel $0x88, $3  }
0x1: {  	(tag) =	ssettag $0x0;
	lr =	simm.s32 $0x1  }
0x2: {  	[smem:$0x3F9F] =	sst lr;
	_ =	strace $0xD0000000  }
0x3: {  	_ = 	snop  }
0x4: {  	_ = 	snop  }
0x5: {  	_ = 	snop  }
0x6: {  	_ = 	snop  }
0x7: {  	_ = 	snop  }
__scs_overlays_trampoline_lowered:
0x8: {  	[smem:$0x3FAE] =	sst s0  }
0x9: {  	[smem:$0x3FAF] =	sst s1  }
0xa: {  	[smem:$0x3FB0] =	sst s2  }
0xb: {  	[smem:$0x3FB1] =	sst s3  }
0xc: {  	[smem:$0x3FB2] =	sst s4  }
0xd: {  	[smem:$0x3FB3] =	sst s5  }
0xe: {  	[smem:$0x3FB4] =	sst s6  }
0xf: {  	[smem:$0x3FB5] =	sst s7  }
0x10: {  	[smem:$0x3FB6] =	sst s8  }
0x11: {  	[smem:$0x3FB7] =	sst s9;
	s0 =	simm.s32 @!p0 $0x0  }
0x12: {  	s1 =	sld [smem:$0x3F9D];
	s0 =	simm.s32 @p0 $0x1  }
0x13: {  	[smem:$0x3FB8] =	sst s0;
	s0 =	simm.s32 @!p1 $0x0  }
0x14: {  	s2 =	sld [smem:$0x3F9C];
	s0 =	simm.s32 @p1 $0x1  }
0x15: {  	[smem:$0x3FB9] =	sst s0;
	s0 =	simm.s32 @!p2 $0x0  }
0x16: {  	s3 =	sld [smem:$0x3FDB];
	s0 =	simm.s32 @p2 $0x1  }
0x17: {  	s4 =	simm.s32 $0x1BF5;
	[smem:$0x3FBB] =	sst s0  }
0x18: {  	s0 =	sld [smem:$0x3F9E];
	_ =	swait.ge [sflag:s4], $0x0  }
0x19: {  	s7 =	sld [smem:$0x3F9F]  }
0x1a: {  	s8 =	sadd.s32 $0xFFFFE003, lr  }
0x1b: {  	s9 =	sadd.s32 $0xFFFFFEF7, lr;
	s5 =	simm.s32 $0xFFFFFFFF;
	p2 =	slt.u32 s8, $0xFFFFF086  }
0x1c: {  	p1 =	slt.u32 s9, $0xF7A;
	s5 =	simm.s32 @!p2 $0x0  }
0x1d: {  	s5 =	simm.s32 @p1 $0x1;
	p0 =	seq.s32 s7, s2  }
0x1e: {  	s7 =	smul.u32 @!p0 $0xF7A, s2;
	p2 =	seq.s32 @!p0 s5, $0x0  }
0x1f: {  	s9 =	smul.u32 $0xF7A, s1;
	s8 =	simm.s32 @!p0 $0x1BF5;
	p2 =	por !p2, p0  }
0x20: {  	[sflag:s8] =	ssyncset.s32 @!p0 $0xFFFFF086;
	s6 =	sadd.s32 @!p0 s3, s7;
	s7 =	simm.s32 @!p0 $0x108  }
0x21: {  	s3 =	sadd.s32 s3, s9;
	s6 =	sadd.s32 @!p0 $0x88, s6;
	s7 =	simm.s32 @p2 $0x1082  }
0x22: {  	[simem:s7], [sflag:s8] =	dma.local @!p0 [hbm:s6], $0xF7A  }
0x23: {  	s9 =	sor.u32 $0xD0000000, s2;
	s6 =	simm.s32 $0x108;
	_ =	swait.ge @!p0 [sflag:s8], $0x0  }
0x24: {  	s3 =	sadd.s32 $0x88, s3;
	s6 =	simm.s32 @!p1 $0x1082;
	[sflag:s4] =	ssyncset.s32 $0xFFFFF086  }
0x25: {  	[simem:s6], [sflag:s4] =	dma.local [hbm:s3], $0xF7A  }
0x26: {  	[smem:$0x3F9F] =	sst s1;
	(tag) =	ssettag s2;
	_ =	strace s9  }
0x27: {  	s1 =	sld [smem:$0x3FAF]  }
0x28: {  	s2 =	sld [smem:$0x3FB0]  }
0x29: {  	s4 =	sld [smem:$0x3FB2]  }
0x2a: {  	p0 =	seq.s32 s5, $0x0;
	s5 =	sld [smem:$0x3FB3]  }
0x2b: {  	s6 =	sld [smem:$0x3FB4]  }
0x2c: {  	s7 =	sld [smem:$0x3FB5]  }
0x2d: {  	s3 =	simm.s32 $0x108;
	s8 =	sld [smem:$0x3FB6]  }
0x2e: {  	s3 =	simm.s32 @!p0 $0x1082;
	s9 =	sld [smem:$0x3FB7]  }
0x2f: {  	lr =	sadd.s32 s0, s3;
	s0 =	sld [smem:$0x3FAE]  }
0x30: {  	s3 =	sld [smem:$0x3FB1]  }
0x31: {  	[smem:$0x3FBA] =	sst s10  }
0x32: {  	s10 =	sld [smem:$0x3FB8];
	_ =	sdelay $0x3  }
0x33: {  	p0 =	seq.s32 s10, $0x1;
	s10 =	sld [smem:$0x3FBA];
	_ =	sdelay $0x3  }
0x34: {  	[smem:$0x3FBA] =	sst s10  }
0x35: {  	s10 =	sld [smem:$0x3FB9];
	_ =	sdelay $0x3  }
0x36: {  	p1 =	seq.s32 s10, $0x1;
	s10 =	sld [smem:$0x3FBA];
	_ =	sdelay $0x3  }
0x37: {  	[smem:$0x3FBA] =	sst s10  }
0x38: {  	s10 =	sld [smem:$0x3FBB]  }
0x39: {  	_ = 	snop;
	(pc) =	sbr.ind lr, $3  }
0x3a: {  	_ = 	snop  }
0x3b: {  	_ = 	snop  }
0x3c: {  	p2 =	seq.s32 s10, $0x1;
	s10 =	sld [smem:$0x3FBA]  }
0x3d: {  	_ =	shalt  }
0x3e: {  	_ =	shalt  }
0x3f: {  	_ =	shalt  }
0x40: {  	_ =	shalt  }
0x41: {  	_ =	shalt  }
0x42: {  	_ =	shalt  }
0x43: {  	_ =	shalt  }
0x44: {  	_ =	shalt  }
0x45: {  	_ =	shalt  }
0x46: {  	_ =	shalt  }
0x47: {  	_ =	shalt  }
0x48: {  	_ =	shalt  }
0x49: {  	_ =	shalt  }
0x4a: {  	_ =	shalt  }
0x4b: {  	_ =	shalt  }
0x4c: {  	_ =	shalt  }
0x4d: {  	_ =	shalt  }
0x4e: {  	_ =	shalt  }
0x4f: {  	_ =	shalt  }
0x50: {  	_ =	shalt  }
0x51: {  	_ =	shalt  }
0x52: {  	_ =	shalt  }
0x53: {  	_ =	shalt  }
0x54: {  	_ =	shalt  }
0x55: {  	_ =	shalt  }
0x56: {  	_ =	shalt  }
0x57: {  	_ =	shalt  }
0x58: {  	_ =	shalt  }
0x59: {  	_ =	shalt  }
0x5a: {  	_ =	shalt  }
0x5b: {  	_ =	shalt  }
0x5c: {  	_ =	shalt  }
0x5d: {  	_ =	shalt  }
0x5e: {  	_ =	shalt  }
0x5f: {  	_ =	shalt  }
0x60: {  	_ =	shalt  }
0x61: {  	_ =	shalt  }
0x62: {  	_ =	shalt  }
0x63: {  	_ =	shalt  }
0x64: {  	_ =	shalt  }
0x65: {  	_ =	shalt  }
0x66: {  	_ =	shalt  }
0x67: {  	_ =	shalt  }
0x68: {  	_ =	shalt  }
0x69: {  	_ =	shalt  }
0x6a: {  	_ =	shalt  }
0x6b: {  	_ =	shalt  }
0x6c: {  	_ =	shalt  }
0x6d: {  	_ =	shalt  }
0x6e: {  	_ =	shalt  }
0x6f: {  	_ =	shalt  }
0x70: {  	_ =	shalt  }
0x71: {  	_ =	shalt  }
0x72: {  	_ =	shalt  }
0x73: {  	_ =	shalt  }
0x74: {  	_ =	shalt  }
0x75: {  	_ =	shalt  }
0x76: {  	_ =	shalt  }
0x77: {  	_ =	shalt  }
0x78: {  	_ =	shalt  }
0x79: {  	_ =	shalt  }
0x7a: {  	_ =	shalt  }
0x7b: {  	_ =	shalt  }
0x7c: {  	_ =	shalt  }
0x7d: {  	_ =	shalt  }
0x7e: {  	_ =	shalt  }
0x7f: {  	_ =	shalt  }
0x80: {  	_ =	shalt  }
0x81: {  	_ =	shalt  }
0x82: {  	_ =	shalt  }
0x83: {  	_ =	shalt  }
0x84: {  	_ =	shalt  }
0x85: {  	_ =	shalt  }
0x86: {  	_ =	shalt  }
0x87: {  	_ =	shalt  }
.Lfunc_end0:
.L_simem_size_0:
called_computation.1_lowered:
.L_overlay_start_0:
0x88: {  	s2 =	sld [smem:$0x3FD9]  }
0x89: {  	s3 =	sld [smem:$0x3FFE];
	_ =	sdelay $0x1  }
0x8a: {  	s1 =	srdreg.scid  }
0x8b: {  	s0 =	sand.u32 $0x1, s1  }
0x8c: {  	s17 =	sshll.u32 s0, $0xA;
	s2 =	sadd.s32 s3, s2  }
0x8d: {  	s2 =	sadd.s32 s2, s17  }
0x8e: {  	[smem:$0x3FC6] =	sst s2  }
0x8f: {  	_ = 	snop  }
0x90: {  	s2 =	sld [smem:$0x3FD0];
	(tm) =	ssettm $0x1  }
0x91: {  	s18 =	sld [smem:$0x3FFB];
	_ =	sdelay $0x3  }
0x92: {  	_ =	strace s18  }
0x93: {  	s3 =	sld [smem:$0x3FFC];
	_ =	sdelay $0x3  }
0x94: {  	_ =	strace s3  }
0x95: {  	s3 =	sld [smem:$0x3FFD];
	_ =	sdelay $0x3  }
0x96: {  	_ =	strace s3  }
0x97: {  	_ =	strace $0x8FFFFFFF  }
0x98: {  	s19 =	sld [smem:$0x3FDB];
	_ =	sdelay $0x1  }
0x99: {  	s4 =	simm.s32 $_scs_section_size  }
0x9a: {  	s5 =	simm.s32 $_size__tile_overlayer_lowered;
	s6 =	simm.s32 $_tile_overlayer_lowered  }
0x9b: {  	s22 =	simm.s32 $0x1BFF;
	s21 =	sshll.u32 s6, $0x1;
	s3 =	sadd.s32 s4, s19  }
0x9c: {  	s7 =	simm.s32 $0x0;
	s20 =	sshll.u32 s5, $0x1;
	s5 =	sadd.s32 s21, s3  }
0x9d: {  	[timem:s7], [sflag:s22] =	dma.local [hbm:s5], s20  }
0x9e: {  	_ =	swait.ge [sflag:s22], s20  }
0x9f: {  	s4 =	ssub.s32 $0x0, s20;
	[sflag:s22] =	ssyncset.done $0x0  }
0xa0: {  	[sflag:s22] =	ssyncadd.s32 s4;
	_ =	sdelay $0x1  }
0xa1: {  	s23 =	simm.s32 $0x1B8B  }
0xa2: {  	_ =	swait.ge [sflag:s23], $0x1  }
0xa3: {  	[sflag:s23] =	ssyncset.done $0x0  }
0xa4: {  	s25 =	simm.s32 $0x1B8E;
	s24 =	sld [smem:$0x3FFE];
	[sflag:s23] =	ssyncadd.s32 $0xFFFFFFFF  }
0xa5: {  	s26 =	simm.s32 $execute0_lowered;
	[smem:$0x3FD2] =	sst s25  }
0xa6: {  	s5 =	sshll.u32 s26, $0x1;
	_ =	strace $0x80000046;
	[dreg:$0x1] =	wrdreg $0xFFFFFFFF  }
0xa7: {  	s28 =	simm.s32 $_size_execute0_lowered;
	s3 =	sadd.s32 s3, s5;
	[dreg:$0x0] =	wrdreg $0x0  }
0xa8: {  	s5 =	sshll.u32 s28, $0x1;
	[dreg:$0x2] =	wrdreg s3  }
0xa9: {  	[dreg:$0x3] =	wrdreg s5  }
0xaa: {  	[dreg:$0x4] =	wrdreg $0xC0  }
0xab: {  	_ =	task [dreg:s7], $0x5FFFF  }
0xac: {  	[dreg:$0x1] =	wrdreg $0xFFFFFFFF  }
0xad: {  	[dreg:$0x0] =	wrdreg $0x60  }
0xae: {  	[dreg:$0x2] =	wrdreg s24  }
0xaf: {  	[dreg:$0x3] =	wrdreg s2  }
0xb0: {  	[dreg:$0x4] =	wrdreg $0x9  }
0xb1: {  	_ =	task.clear_ibuf [dreg:s7], $0x5FFFF;
	_ =	strace $0x90000046  }
0xb2: {  	s29 =	simm.s32 $0x9;
	_ =	strace $0x80000048  }
0xb3: {  	_ =	swait.ge [sflag:s29], $0x1  }
0xb4: {  	[sflag:s29] =	ssyncadd.s32 $0xFFFFFFFF  }
0xb5: {  	_ =	strace $0x90000048  }
0xb6: {  	_ =	sfence  }
0xb7: {  	s30 =	sld [smem:$0x0];
	_ =	sdelay $0x2  }
0xb8: {  	s31 =	sshll.u32 s1, $0xD;
	s1 =	sshrl.u32 s1, $0x2  }
0xb9: {  	s3 =	sand.u32 $0x4000, s31;
	s1 =	sadd.s32 s1, s30  }
0xba: {  	s0 =	sor.u32 s3, s0;
	s1 =	sshll.u32 s1, $0x11  }
0xbb: {  	s0 =	sor.u32 s1, s0  }
0xbc: {  	s0 =	sadd.s32 $0x8F2B, s0  }
0xbd: {  	[sflag:s0] =	ssyncadd.remote.s32 $0x1  }
0xbe: {  	_ =	sfence.sel $0xFFFF  }
0xbf: {  	[dreg:$0x0] =	wrdreg $0xFFFFFFFF;
	(pc) =	sbr.abs _section_cstart, $3  }
0xc0: {  	[dreg:$0x1] =	wrdreg $0xFFFFFFFF  }
0xc1: {  	_ =	task.clear_ibuf [dreg:s7], $0x2FFFF;
	_ =	strace $0x9FFFFFFF  }
0xc2: {  	(tm) =	ssettm $0x7FFFFFFF  }
0xc3: {  	_ =	shalt  }
tec
execute0_lowered:
.L_overlay_start_1:
0x0: {  	(tag) =	ssettag $0x1  }
0x1: {  	s0 =	srdreg.scid;
	s1 =	stileid.u32  }
0x2: {  	s4 =	rddreg [dreg:$0x1];
	s0 =	sand.u32 $0x1, s0;
	s2 =	sshll.u32 s1, $0x1  }
0x3: {  	s1 =	rddreg [dreg:$0x0];
	s3 =	sor.u32 s0, s2;
	s2 =	simm.s32 $0x0  }
0x4: {  	s25 =	simm.s32 $0x100;
	[smem:$0x7FF] =	sst s2  }
0x5: {  	s26 =	simm.s32 $0x180;
	_ =	strace $0x80000047;
	[dreg:$0xc] =	wrdreg s25  }
0x6: {  	s28 =	simm.s32 $0x200;
	[dreg:$0xd] =	wrdreg s26  }
0x7: {  	s29 =	simm.s32 $0x280;
	[dreg:$0xe] =	wrdreg s28  }
0x8: {  	s7 =	simm.s32 $0x480;
	[dreg:$0xf] =	wrdreg s29  }
0x9: {  	s8 =	simm.s32 $0x500;
	[dreg:$0x13] =	wrdreg s7  }
0xa: {  	s9 =	simm.s32 $0x580;
	[dreg:$0x14] =	wrdreg s8  }
0xb: {  	s10 =	simm.s32 $0x600;
	[dreg:$0x15] =	wrdreg s9  }
0xc: {  	s11 =	simm.s32 $0x680;
	[dreg:$0x16] =	wrdreg s10  }
0xd: {  	s12 =	simm.s32 $0x700;
	[dreg:$0x17] =	wrdreg s11  }
0xe: {  	s13 =	simm.s32 $0x780;
	[dreg:$0x18] =	wrdreg s12  }
0xf: {  	s14 =	simm.s32 $0x800;
	[dreg:$0x19] =	wrdreg s13  }
0x10: {  	s15 =	simm.s32 $0x880;
	[dreg:$0x1a] =	wrdreg s14  }
0x11: {  	s16 =	simm.s32 $0x900;
	[dreg:$0x1b] =	wrdreg s15  }
0x12: {  	s17 =	simm.s32 $0x980;
	[dreg:$0x1c] =	wrdreg s16  }
0x13: {  	[dreg:$0x1d] =	wrdreg s17;
	s25 =	simm.s32 $0xD80  }
0x14: {  	s26 =	simm.s32 $0xE00;
	[smem:$0x7B1] =	sst s25  }
0x15: {  	s28 =	simm.s32 $0xE80;
	[smem:$0x7B2] =	sst s26  }
0x16: {  	s29 =	simm.s32 $0xF00;
	[smem:$0x7B3] =	sst s28  }
0x17: {  	s7 =	simm.s32 $0x1100;
	[smem:$0x7B4] =	sst s29  }
0x18: {  	s8 =	simm.s32 $0x1180;
	[smem:$0x7B8] =	sst s7  }
0x19: {  	s9 =	simm.s32 $0x1200;
	[smem:$0x7B9] =	sst s8  }
0x1a: {  	s10 =	simm.s32 $0x1280;
	[smem:$0x7BA] =	sst s9  }
0x1b: {  	s11 =	simm.s32 $0x1300;
	[smem:$0x7BB] =	sst s10  }
0x1c: {  	s12 =	simm.s32 $0x1380;
	[smem:$0x7BC] =	sst s11  }
0x1d: {  	s13 =	simm.s32 $0x1400;
	[smem:$0x7BD] =	sst s12  }
0x1e: {  	s5 =	smul.u32 $0x680, s3;
	s14 =	simm.s32 $0x1480;
	[smem:$0x7BE] =	sst s13  }
0x1f: {  	s6 =	smul.u32 $0x68000, s3;
	s15 =	simm.s32 $0x1500;
	[smem:$0x7BF] =	sst s14  }
0x20: {  	s3 =	smul.u32 $0xD000, s3;
	s16 =	simm.s32 $0x1580;
	[smem:$0x7C0] =	sst s15  }
0x21: {  	s17 =	simm.s32 $0x1600;
	[smem:$0x7C1] =	sst s16  }
0x22: {  	s3 =	sadd.s32 s4, s3;
	[smem:$0x7C2] =	sst s17  }
0x23: {  	s25 =	simm.s32 $0x1A00;
	[dreg:$0x4] =	wrdreg s3  }
0x24: {  	s26 =	simm.s32 $0x1A80;
	[smem:$0x7CA] =	sst s25  }
0x25: {  	s28 =	simm.s32 $0x1B00;
	[smem:$0x7CB] =	sst s26  }
0x26: {  	s29 =	simm.s32 $0x1B80;
	[smem:$0x7CC] =	sst s28  }
0x27: {  	s7 =	simm.s32 $0x1D80;
	[smem:$0x7CD] =	sst s29  }
0x28: {  	s8 =	simm.s32 $0x1E00;
	[smem:$0x7D1] =	sst s7  }
0x29: {  	s9 =	simm.s32 $0x1E80;
	[smem:$0x7D2] =	sst s8  }
0x2a: {  	s10 =	simm.s32 $0x1F00;
	[smem:$0x7D3] =	sst s9  }
0x2b: {  	s11 =	simm.s32 $0x1F80;
	[smem:$0x7D4] =	sst s10  }
0x2c: {  	s12 =	simm.s32 $0x2000;
	[smem:$0x7D5] =	sst s11  }
0x2d: {  	s13 =	simm.s32 $0x2080;
	[smem:$0x7D6] =	sst s12  }
0x2e: {  	s14 =	simm.s32 $0x2100;
	[smem:$0x7D7] =	sst s13  }
0x2f: {  	s15 =	simm.s32 $0x2180;
	[smem:$0x7D8] =	sst s14  }
0x30: {  	s16 =	simm.s32 $0x2200;
	[smem:$0x7D9] =	sst s15  }
0x31: {  	s5 =	sadd.s32 s5, s1;
	s17 =	simm.s32 $0x2280;
	[smem:$0x7DA] =	sst s16  }
0x32: {  	s6 =	sshrl.u32 s6, $0x3;
	s5 =	sadd.s32 $0xA00, s5;
	[smem:$0x7DB] =	sst s17  }
0x33: {  	s4 =	sadd.s32 s4, s6;
	s6 =	simm.s32 $0x400;
	[dreg:$0x3] =	wrdreg s5  }
0x34: {  	s25 =	simm.s32 $0x2680;
	[dreg:$0x12] =	wrdreg s6  }
0x35: {  	s26 =	simm.s32 $0x2700;
	[smem:$0x7E3] =	sst s25  }
0x36: {  	s28 =	simm.s32 $0x2780;
	[smem:$0x7E4] =	sst s26  }
0x37: {  	s29 =	simm.s32 $0x2800;
	[smem:$0x7E5] =	sst s28  }
0x38: {  	s7 =	simm.s32 $0x2980;
	[smem:$0x7E6] =	sst s29  }
0x39: {  	s8 =	simm.s32 $0x2A00;
	[smem:$0x7E9] =	sst s7  }
0x3a: {  	s9 =	simm.s32 $0x2A80;
	[smem:$0x7EA] =	sst s8  }
0x3b: {  	s10 =	simm.s32 $0x2B00;
	[smem:$0x7EB] =	sst s9  }
0x3c: {  	s11 =	simm.s32 $0x2B80;
	[smem:$0x7EC] =	sst s10  }
0x3d: {  	s13 =	simm.s32 $0x2C00;
	[smem:$0x7ED] =	sst s11  }
0x3e: {  	s14 =	simm.s32 $0x2C80;
	[smem:$0x7EE] =	sst s13  }
0x3f: {  	s15 =	simm.s32 $0x2D00;
	[smem:$0x7EF] =	sst s14  }
0x40: {  	s17 =	simm.s32 $0x2D80;
	[smem:$0x7F0] =	sst s15  }
0x41: {  	s18 =	sadd.s32 $0x1A00, s4;
	[smem:$0x7F1] =	sst s17  }
0x42: {  	s19 =	sadd.s32 $0x3400, s4;
	[dreg:$0x5] =	wrdreg s18  }
0x43: {  	s20 =	sadd.s32 $0x4E00, s4;
	[dreg:$0x6] =	wrdreg s19  }
0x44: {  	s21 =	sadd.s32 $0x6800, s4;
	[dreg:$0x7] =	wrdreg s20  }
0x45: {  	s22 =	sadd.s32 $0x8200, s4;
	[dreg:$0x8] =	wrdreg s21  }
0x46: {  	s23 =	sadd.s32 $0x9C00, s4;
	[dreg:$0x9] =	wrdreg s22  }
0x47: {  	s24 =	sadd.s32 $0xB600, s4;
	[dreg:$0xa] =	wrdreg s23  }
0x48: {  	s4 =	simm.s32 $0x300;
	[dreg:$0xb] =	wrdreg s24  }
0x49: {  	s5 =	simm.s32 $0x380;
	[dreg:$0x10] =	wrdreg s4  }
0x4a: {  	s6 =	simm.s32 $0x1080;
	[dreg:$0x11] =	wrdreg s5  }
0x4b: {  	s7 =	simm.s32 $0x3180;
	[smem:$0x7B7] =	sst s6  }
0x4c: {  	s25 =	simm.s32 $0x3200;
	[smem:$0x7F9] =	sst s7  }
0x4d: {  	s26 =	simm.s32 $0x3280;
	[smem:$0x7FA] =	sst s25  }
0x4e: {  	s28 =	simm.s32 $0x3300;
	[smem:$0x7FB] =	sst s26  }
0x4f: {  	s29 =	simm.s32 $0x3380;
	[smem:$0x7FC] =	sst s28  }
0x50: {  	[smem:$0x7FD] =	sst s29  }
0x51: {  	s18 =	simm.s32 $0xA00;
	s14 =	rddreg [dreg:$0x3]  }
0x52: {  	s19 =	simm.s32 $0xA80;
	[dreg:$0x1e] =	wrdreg s18  }
0x53: {  	s20 =	simm.s32 $0xB00;
	[dreg:$0x1f] =	wrdreg s19  }
0x54: {  	s21 =	simm.s32 $0xB80;
	[smem:$0x7AC] =	sst s20  }
0x55: {  	s22 =	simm.s32 $0xC00;
	[smem:$0x7AD] =	sst s21  }
0x56: {  	s23 =	simm.s32 $0xC80;
	[smem:$0x7AE] =	sst s22  }
0x57: {  	s24 =	simm.s32 $0xD00;
	[smem:$0x7AF] =	sst s23  }
0x58: {  	s4 =	simm.s32 $0xF80;
	[smem:$0x7B0] =	sst s24  }
0x59: {  	s5 =	simm.s32 $0x1000;
	[smem:$0x7B5] =	sst s4  }
0x5a: {  	s6 =	simm.s32 $0x1D00;
	[smem:$0x7B6] =	sst s5  }
0x5b: {  	s18 =	simm.s32 $0x1680;
	[smem:$0x7D0] =	sst s6  }
0x5c: {  	s19 =	simm.s32 $0x1700;
	[smem:$0x7C3] =	sst s18  }
0x5d: {  	s20 =	simm.s32 $0x1780;
	[smem:$0x7C4] =	sst s19  }
0x5e: {  	s30 =	simm.s32 $0x3400;
	s21 =	simm.s32 $0x1800;
	[smem:$0x7C5] =	sst s20  }
0x5f: {  	s31 =	simm.s32 $0x14400;
	s22 =	simm.s32 $0x1880;
	[smem:$0x7C6] =	sst s21  }
0x60: {  	p0 =	por $0x0, $0x0;
	s23 =	simm.s32 $0x1900;
	[smem:$0x7C7] =	sst s22  }
0x61: {  	s0 =	ssub.s32 $0x2, s0;
	s24 =	simm.s32 $0x1980;
	[smem:$0x7C8] =	sst s23  }
0x62: {  	s3 =	sadd.s32 $0xF42E00, s1;
	s4 =	simm.s32 $0x1C00;
	[smem:$0x7C9] =	sst s24  }
0x63: {  	s16 =	simm.s32 $0x5;
	s5 =	simm.s32 $0x1C80;
	[smem:$0x7CE] =	sst s4  }
0x64: {  	s12 =	simm.s32 $0x4400;
	s6 =	simm.s32 $0x2900;
	[smem:$0x7CF] =	sst s5  }
0x65: {  	s15 =	simm.s32 $0xC400;
	s18 =	simm.s32 $0x2300;
	[smem:$0x7E8] =	sst s6  }
0x66: {  	s11 =	simm.s32 $0xD400;
	s19 =	simm.s32 $0x2380;
	[smem:$0x7DC] =	sst s18  }
0x67: {  	s17 =	simm.s32 $0xE400;
	s20 =	simm.s32 $0x2400;
	[smem:$0x7DD] =	sst s19  }
0x68: {  	s10 =	simm.s32 $0x18400;
	s21 =	simm.s32 $0x2480;
	[smem:$0x7DE] =	sst s20  }
0x69: {  	s13 =	simm.s32 $0x1;
	s22 =	simm.s32 $0x2500;
	[smem:$0x7DF] =	sst s21  }
0x6a: {  	s8 =	simm.s32 $0x3;
	s23 =	simm.s32 $0x2580;
	[smem:$0x7E0] =	sst s22  }
0x6b: {  	s9 =	simm.s32 $0x2;
	s24 =	simm.s32 $0x2600;
	[smem:$0x7E1] =	sst s23  }
0x6c: {  	s7 =	simm.s32 $0x4;
	s4 =	simm.s32 $0x2880;
	[smem:$0x7E2] =	sst s24  }
0x6d: {  	s5 =	sshrl.u32 s0, $0x1;
	[smem:$0x7E7] =	sst s4;
	s18 =	simm.s32 $0x2E00  }
0x6e: {  	s0 =	ssub.s32 s0, s5;
	s19 =	simm.s32 $0x2E80;
	[smem:$0x7F2] =	sst s18  }
0x6f: {  	s20 =	simm.s32 $0x2F00;
	s1 =	smax.u32 s0, $0x1;
	[smem:$0x7F3] =	sst s19  }
0x70: {  	s21 =	simm.s32 $0x2F80;
	[smem:$0x7F4] =	sst s20;
	p1 =	sne.s32 s1, $0x1  }
.Ltmp0:
0x71: {  	s22 =	simm.s32 $0x3000;
	[smem:$0x7F5] =	sst s21;
	(pc) =	sbr.rel @!p1 .LBB2_5-.Ltmp0, $4  }
0x72: {  	s6 =	simm.s32 $0x17400;
	s23 =	simm.s32 $0x3080;
	[smem:$0x7F6] =	sst s22  }
0x73: {  	s5 =	simm.s32 $0x80;
	s24 =	simm.s32 $0x3100;
	[smem:$0x7F7] =	sst s23  }
0x74: {  	s4 =	simm.s32 $0x10400;
	s19 =	simm.s32 $0xF400;
	[smem:$0x7F8] =	sst s24  }
0x75: {  	s0 =	simm.s32 $0x15400;
	s18 =	simm.s32 $0x16400;
	s1 =	sadd.s32 $0xFFFFFFFF, s1  }
0x76: {  	[tilespmem:s2], [sflag:$0x5] =	stream.linear.gather [hbm4b:s14+s2], $0x3400, $0x38;
	[tilespmem:$0x1D400] =	vst v63  }
0x77: {  	_ =	swait.ge [sflag:s16], $0x3400  }
0x78: {  	[sflag:s16] =	ssyncset.done $0x0  }
0x79: {  	[sflag:s16] =	ssyncadd.s32 $0xFFFFCC00  }
0x7a: {  	[tilespmem:s30], [sflag:$0x1] =	stream.indirect.gather [hbm4b:s3+s5], $0x20, s2, s5, $0xb8;
	[tilespmem:$0x1D400] =	vst v63  }
0x7b: {  	s28 =	rddreg [dreg:$0xc]  }
0x7c: {  	[tilespmem:s12], [sflag:$0x1] =	stream.indirect.gather [hbm4b:s3+s5], $0x20, s5, s5, $0xb8;
	[tilespmem:$0x1D400] =	vst v63  }
0x7d: {  	s21 =	simm.s32 $0x5400;
	s29 =	rddreg [dreg:$0xd]  }
0x7e: {  	[tilespmem:s21], [sflag:$0x1] =	stream.indirect.gather [hbm4b:s3+s5], $0x20, s28, s5, $0xb8;
	[tilespmem:$0x1D400] =	vst v63  }
0x7f: {  	s25 =	simm.s32 $0x6400;
	s20 =	rddreg [dreg:$0xf]  }
0x80: {  	[tilespmem:s25], [sflag:$0x1] =	stream.indirect.gather [hbm4b:s3+s5], $0x20, s29, s5, $0xb8;
	[tilespmem:$0x1D400] =	vst v63  }
0x81: {  	s22 =	simm.s32 $0x7400;
	s16 =	rddreg [dreg:$0xe]  }
0x82: {  	[tilespmem:s22], [sflag:$0x1] =	stream.indirect.gather [hbm4b:s3+s5], $0x20, s16, s5, $0xb8;
	[tilespmem:$0x1D400] =	vst v63  }
0x83: {  	s26 =	simm.s32 $0x8400;
	s23 =	rddreg [dreg:$0x10]  }
0x84: {  	[tilespmem:s26], [sflag:$0x1] =	stream.indirect.gather [hbm4b:s3+s5], $0x20, s20, s5, $0xb8;
	[tilespmem:$0x1D400] =	vst v63  }
0x85: {  	s24 =	rddreg [dreg:$0x11];
	s29 =	simm.s32 $0x9400  }
0x86: {  	[tilespmem:s29], [sflag:$0x1] =	stream.indirect.gather [hbm4b:s3+s5], $0x20, s23, s5, $0xb8;
	[tilespmem:$0x1D400] =	vst v63  }
0x87: {  	s28 =	rddreg [dreg:$0x12];
	s23 =	simm.s32 $0xA400  }
0x88: {  	[tilespmem:s23], [sflag:$0x1] =	stream.indirect.gather [hbm4b:s3+s5], $0x20, s24, s5, $0xb8;
	[tilespmem:$0x1D400] =	vst v63  }
0x89: {  	s16 =	rddreg [dreg:$0x13];
	s24 =	simm.s32 $0xB400  }
0x8a: {  	[tilespmem:s24], [sflag:$0x1] =	stream.indirect.gather [hbm4b:s3+s5], $0x20, s28, s5, $0xb8;
	[tilespmem:$0x1D400] =	vst v63  }
0x8b: {  	s20 =	rddreg [dreg:$0x14]  }
0x8c: {  	[tilespmem:s15], [sflag:$0x1] =	stream.indirect.gather [hbm4b:s3+s5], $0x20, s16, s5, $0xb8;
	[tilespmem:$0x1D400] =	vst v63  }
0x8d: {  	s28 =	rddreg [dreg:$0x15]  }
0x8e: {  	[tilespmem:s11], [sflag:$0x1] =	stream.indirect.gather [hbm4b:s3+s5], $0x20, s20, s5, $0xb8;
	[tilespmem:$0x1D400] =	vst v63  }
0x8f: {  	s16 =	rddreg [dreg:$0x16]  }
0x90: {  	[tilespmem:s17], [sflag:$0x1] =	stream.indirect.gather [hbm4b:s3+s5], $0x20, s28, s5, $0xb8;
	[tilespmem:$0x1D400] =	vst v63  }
0x91: {  	s20 =	rddreg [dreg:$0x18]  }
0x92: {  	[tilespmem:s19], [sflag:$0x1] =	stream.indirect.gather [hbm4b:s3+s5], $0x20, s16, s5, $0xb8;
	[tilespmem:$0x1D400] =	vst v63  }
0x93: {  	s17 =	rddreg [dreg:$0x17]  }
0x94: {  	[tilespmem:s4], [sflag:$0x2] =	stream.indirect.gather [hbm4b:s3+s5], $0x20, s17, s5, $0xb8;
	[tilespmem:$0x1D400] =	vst v63  }
0x95: {  	s28 =	rddreg [dreg:$0x19];
	s16 =	simm.s32 $0x11400  }
0x96: {  	[tilespmem:s16], [sflag:$0x2] =	stream.indirect.gather [hbm4b:s3+s5], $0x20, s20, s5, $0xb8;
	[tilespmem:$0x1D400] =	vst v63  }
0x97: {  	s17 =	rddreg [dreg:$0x1a];
	s20 =	simm.s32 $0x12400  }
0x98: {  	[tilespmem:s20], [sflag:$0x2] =	stream.indirect.gather [hbm4b:s3+s5], $0x20, s28, s5, $0xb8;
	[tilespmem:$0x1D400] =	vst v63  }
0x99: {  	s19 =	smov.u32 s1;
	s1 =	simm.s32 $0x13400;
	s16 =	rddreg [dreg:$0x1c]  }
0x9a: {  	[tilespmem:s1], [sflag:$0x2] =	stream.indirect.gather [hbm4b:s3+s5], $0x20, s17, s5, $0xb8;
	[tilespmem:$0x1D400] =	vst v63  }
0x9b: {  	s28 =	rddreg [dreg:$0x1b]  }
0x9c: {  	[tilespmem:s31], [sflag:$0x2] =	stream.indirect.gather [hbm4b:s3+s5], $0x20, s28, s5, $0xb8;
	[tilespmem:$0x1D400] =	vst v63  }
0x9d: {  	s20 =	rddreg [dreg:$0x1e]  }
0x9e: {  	[tilespmem:s0], [sflag:$0x2] =	stream.indirect.gather [hbm4b:s3+s5], $0x20, s16, s5, $0xb8;
	[tilespmem:$0x1D400] =	vst v63  }
0x9f: {  	s17 =	rddreg [dreg:$0x1d]  }
0xa0: {  	[tilespmem:s18], [sflag:$0x2] =	stream.indirect.gather [hbm4b:s3+s5], $0x20, s17, s5, $0xb8;
	[tilespmem:$0x1D400] =	vst v63  }
0xa1: {  	s1 =	sld [smem:$0x7AC]  }
0xa2: {  	[tilespmem:s6], [sflag:$0x2] =	stream.indirect.gather [hbm4b:s3+s5], $0x20, s20, s5, $0xb8;
	[tilespmem:$0x1D400] =	vst v63  }
0xa3: {  	s28 =	rddreg [dreg:$0x1f]  }
0xa4: {  	[tilespmem:s10], [sflag:$0x2] =	stream.indirect.gather [hbm4b:s3+s5], $0x20, s28, s5, $0xb8;
	[tilespmem:$0x1D400] =	vst v63  }
0xa5: {  	s4 =	sld [smem:$0x7AD];
	s16 =	simm.s32 $0x19400  }
0xa6: {  	[tilespmem:s16], [sflag:$0x2] =	stream.indirect.gather [hbm4b:s3+s5], $0x20, s1, s5, $0xb8;
	[tilespmem:$0x1D400] =	vst v63  }
0xa7: {  	s17 =	sld [smem:$0x7AE];
	s18 =	simm.s32 $0x1A400  }
0xa8: {  	[tilespmem:s18], [sflag:$0x2] =	stream.indirect.gather [hbm4b:s3+s5], $0x20, s4, s5, $0xb8;
	[tilespmem:$0x1D400] =	vst v63  }
0xa9: {  	s12 =	sld [smem:$0x7AF];
	s4 =	simm.s32 $0x1B400  }
0xaa: {  	[tilespmem:s4], [sflag:$0x2] =	stream.indirect.gather [hbm4b:s3+s5], $0x20, s17, s5, $0xb8;
	[tilespmem:$0x1D400] =	vst v63  }
0xab: {  	s17 =	simm.s32 $0x1C400  }
0xac: {  	[tilespmem:s17], [sflag:$0x2] =	stream.indirect.gather [hbm4b:s3+s5], $0x20, s12, s5, $0xb8;
	[tilespmem:$0x1D400] =	vst v63  }
0xad: {  	_ =	swait.ge [sflag:s13], $0xD000  }
0xae: {  	[sflag:s13] =	ssyncset.done $0x0  }
0xaf: {  	s14 =	rddreg [dreg:$0x4];
	[sflag:s13] =	ssyncadd.s32 $0xFFFF3000  }
0xb0: {  	[hbm4b:s14+s2] =	stream.linear.scatter [tilespmem:s30], [sflag:$0x3], $0xD000, $0x38;
	[tilespmem:$0x1D400] =	vst v63  }
0xb1: {  	_ =	swait.ge [sflag:s8], $0xD000  }
0xb2: {  	s17 =	sld [smem:$0x7B0]  }
0xb3: {  	[sflag:s8] =	ssyncset.done $0x0  }
0xb4: {  	s14 =	sld [smem:$0x7B1];
	[sflag:s8] =	ssyncadd.s32 $0xFFFF3000  }
0xb5: {  	[tilespmem:s30], [sflag:$0x1] =	stream.indirect.gather [hbm4b:s3+s5], $0x20, s17, s5, $0xb8;
	[tilespmem:$0x1D400] =	vst v63  }
0xb6: {  	s1 =	sld [smem:$0x7B2];
	s17 =	simm.s32 $0x4400  }
0xb7: {  	[tilespmem:s17], [sflag:$0x1] =	stream.indirect.gather [hbm4b:s3+s5], $0x20, s14, s5, $0xb8;
	[tilespmem:$0x1D400] =	vst v63  }
0xb8: {  	s14 =	sld [smem:$0x7B3]  }
0xb9: {  	[tilespmem:s21], [sflag:$0x1] =	stream.indirect.gather [hbm4b:s3+s5], $0x20, s1, s5, $0xb8;
	[tilespmem:$0x1D400] =	vst v63  }
0xba: {  	s1 =	sld [smem:$0x7B4]  }
0xbb: {  	[tilespmem:s25], [sflag:$0x1] =	stream.indirect.gather [hbm4b:s3+s5], $0x20, s14, s5, $0xb8;
	[tilespmem:$0x1D400] =	vst v63  }
0xbc: {  	s14 =	sld [smem:$0x7B5]  }
0xbd: {  	[tilespmem:s22], [sflag:$0x1] =	stream.indirect.gather [hbm4b:s3+s5], $0x20, s1, s5, $0xb8;
	[tilespmem:$0x1D400] =	vst v63  }
0xbe: {  	s1 =	sld [smem:$0x7B6]  }
0xbf: {  	[tilespmem:s26], [sflag:$0x1] =	stream.indirect.gather [hbm4b:s3+s5], $0x20, s14, s5, $0xb8;
	[tilespmem:$0x1D400] =	vst v63  }
0xc0: {  	s14 =	sld [smem:$0x7B7]  }
0xc1: {  	[tilespmem:s29], [sflag:$0x1] =	stream.indirect.gather [hbm4b:s3+s5], $0x20, s1, s5, $0xb8;
	[tilespmem:$0x1D400] =	vst v63  }
0xc2: {  	s1 =	sld [smem:$0x7B8]  }
0xc3: {  	[tilespmem:s23], [sflag:$0x1] =	stream.indirect.gather [hbm4b:s3+s5], $0x20, s14, s5, $0xb8;
	[tilespmem:$0x1D400] =	vst v63  }
0xc4: {  	s14 =	sld [smem:$0x7B9]  }
0xc5: {  	[tilespmem:s24], [sflag:$0x1] =	stream.indirect.gather [hbm4b:s3+s5], $0x20, s1, s5, $0xb8;
	[tilespmem:$0x1D400] =	vst v63  }
0xc6: {  	s1 =	sld [smem:$0x7BA]  }
0xc7: {  	[tilespmem:s15], [sflag:$0x1] =	stream.indirect.gather [hbm4b:s3+s5], $0x20, s14, s5, $0xb8;
	[tilespmem:$0x1D400] =	vst v63  }
0xc8: {  	s14 =	sld [smem:$0x7BB]  }
0xc9: {  	[tilespmem:s11], [sflag:$0x1] =	stream.indirect.gather [hbm4b:s3+s5], $0x20, s1, s5, $0xb8;
	[tilespmem:$0x1D400] =	vst v63  }
0xca: {  	s16 =	simm.s32 $0xE400;
	s1 =	sld [smem:$0x7BC]  }
0xcb: {  	[tilespmem:s16], [sflag:$0x1] =	stream.indirect.gather [hbm4b:s3+s5], $0x20, s14, s5, $0xb8;
	[tilespmem:$0x1D400] =	vst v63  }
0xcc: {  	s4 =	simm.s32 $0xF400  }
0xcd: {  	[tilespmem:s4], [sflag:$0x1] =	stream.indirect.gather [hbm4b:s3+s5], $0x20, s1, s5, $0xb8;
	[tilespmem:$0x1D400] =	vst v63  }
0xce: {  	_ =	swait.ge [sflag:s9], $0xD000  }
0xcf: {  	[sflag:s9] =	ssyncset.done $0x0  }
0xd0: {  	s6 =	simm.s32 $0x10400;
	s14 =	rddreg [dreg:$0x5];
	[sflag:s9] =	ssyncadd.s32 $0xFFFF3000  }
0xd1: {  	[hbm4b:s14+s2] =	stream.linear.scatter [tilespmem:s6], [sflag:$0x4], $0xD000, $0x38;
	[tilespmem:$0x1D400] =	vst v63  }
0xd2: {  	_ =	swait.ge [sflag:s7], $0xD000  }
0xd3: {  	s16 =	sld [smem:$0x7BD]  }
0xd4: {  	[sflag:s7] =	ssyncset.done $0x0  }
0xd5: {  	s1 =	sld [smem:$0x7BE];
	[sflag:s7] =	ssyncadd.s32 $0xFFFF3000  }
0xd6: {  	[tilespmem:s6], [sflag:$0x2] =	stream.indirect.gather [hbm4b:s3+s5], $0x20, s16, s5, $0xb8;
	[tilespmem:$0x1D400] =	vst v63  }
0xd7: {  	s4 =	sld [smem:$0x7BF];
	s16 =	simm.s32 $0x11400  }
0xd8: {  	[tilespmem:s16], [sflag:$0x2] =	stream.indirect.gather [hbm4b:s3+s5], $0x20, s1, s5, $0xb8;
	[tilespmem:$0x1D400] =	vst v63  }
0xd9: {  	s14 =	sld [smem:$0x7C0];
	s16 =	simm.s32 $0x12400  }
0xda: {  	[tilespmem:s16], [sflag:$0x2] =	stream.indirect.gather [hbm4b:s3+s5], $0x20, s4, s5, $0xb8;
	[tilespmem:$0x1D400] =	vst v63  }
0xdb: {  	s1 =	simm.s32 $0x13400;
	s4 =	sld [smem:$0x7C1]  }
0xdc: {  	[tilespmem:s1], [sflag:$0x2] =	stream.indirect.gather [hbm4b:s3+s5], $0x20, s14, s5, $0xb8;
	[tilespmem:$0x1D400] =	vst v63  }
0xdd: {  	s14 =	sld [smem:$0x7C2]  }
0xde: {  	[tilespmem:s31], [sflag:$0x2] =	stream.indirect.gather [hbm4b:s3+s5], $0x20, s4, s5, $0xb8;
	[tilespmem:$0x1D400] =	vst v63  }
0xdf: {  	s4 =	sld [smem:$0x7C3]  }
0xe0: {  	[tilespmem:s0], [sflag:$0x2] =	stream.indirect.gather [hbm4b:s3+s5], $0x20, s14, s5, $0xb8;
	[tilespmem:$0x1D400] =	vst v63  }
0xe1: {  	s18 =	simm.s32 $0x16400;
	s14 =	sld [smem:$0x7C4]  }
0xe2: {  	[tilespmem:s18], [sflag:$0x2] =	stream.indirect.gather [hbm4b:s3+s5], $0x20, s4, s5, $0xb8;
	[tilespmem:$0x1D400] =	vst v63  }
0xe3: {  	s20 =	simm.s32 $0x17400;
	s4 =	sld [smem:$0x7C5]  }
0xe4: {  	[tilespmem:s20], [sflag:$0x2] =	stream.indirect.gather [hbm4b:s3+s5], $0x20, s14, s5, $0xb8;
	[tilespmem:$0x1D400] =	vst v63  }
0xe5: {  	s20 =	sld [smem:$0x7C6]  }
0xe6: {  	[tilespmem:s10], [sflag:$0x2] =	stream.indirect.gather [hbm4b:s3+s5], $0x20, s4, s5, $0xb8;
	[tilespmem:$0x1D400] =	vst v63  }
0xe7: {  	s28 =	simm.s32 $0x19400;
	s4 =	sld [smem:$0x7C7]  }
0xe8: {  	[tilespmem:s28], [sflag:$0x2] =	stream.indirect.gather [hbm4b:s3+s5], $0x20, s20, s5, $0xb8;
	[tilespmem:$0x1D400] =	vst v63  }
0xe9: {  	s14 =	sld [smem:$0x7C8];
	s28 =	simm.s32 $0x1A400  }
0xea: {  	[tilespmem:s28], [sflag:$0x2] =	stream.indirect.gather [hbm4b:s3+s5], $0x20, s4, s5, $0xb8;
	[tilespmem:$0x1D400] =	vst v63  }
0xeb: {  	s12 =	sld [smem:$0x7C9];
	s28 =	simm.s32 $0x1B400  }
0xec: {  	[tilespmem:s28], [sflag:$0x2] =	stream.indirect.gather [hbm4b:s3+s5], $0x20, s14, s5, $0xb8;
	[tilespmem:$0x1D400] =	vst v63  }
0xed: {  	s28 =	simm.s32 $0x1C400  }
0xee: {  	[tilespmem:s28], [sflag:$0x2] =	stream.indirect.gather [hbm4b:s3+s5], $0x20, s12, s5, $0xb8;
	[tilespmem:$0x1D400] =	vst v63  }
0xef: {  	_ =	swait.ge [sflag:s13], $0xD000  }
0xf0: {  	[sflag:s13] =	ssyncset.done $0x0  }
0xf1: {  	s14 =	rddreg [dreg:$0x6];
	[sflag:s13] =	ssyncadd.s32 $0xFFFF3000  }
0xf2: {  	[hbm4b:s14+s2] =	stream.linear.scatter [tilespmem:s30], [sflag:$0x3], $0xD000, $0x38;
	[tilespmem:$0x1D400] =	vst v63  }
0xf3: {  	_ =	swait.ge [sflag:s8], $0xD000  }
0xf4: {  	s28 =	sld [smem:$0x7CA]  }
0xf5: {  	[sflag:s8] =	ssyncset.done $0x0  }
0xf6: {  	s4 =	sld [smem:$0x7CB];
	[sflag:s8] =	ssyncadd.s32 $0xFFFF3000  }
0xf7: {  	[tilespmem:s30], [sflag:$0x1] =	stream.indirect.gather [hbm4b:s3+s5], $0x20, s28, s5, $0xb8;
	[tilespmem:$0x1D400] =	vst v63  }
0xf8: {  	s28 =	sld [smem:$0x7CC]  }
0xf9: {  	[tilespmem:s17], [sflag:$0x1] =	stream.indirect.gather [hbm4b:s3+s5], $0x20, s4, s5, $0xb8;
	[tilespmem:$0x1D400] =	vst v63  }
0xfa: {  	s17 =	sld [smem:$0x7CD]  }
0xfb: {  	[tilespmem:s21], [sflag:$0x1] =	stream.indirect.gather [hbm4b:s3+s5], $0x20, s28, s5, $0xb8;
	[tilespmem:$0x1D400] =	vst v63  }
0xfc: {  	s28 =	sld [smem:$0x7CE]  }
0xfd: {  	[tilespmem:s25], [sflag:$0x1] =	stream.indirect.gather [hbm4b:s3+s5], $0x20, s17, s5, $0xb8;
	[tilespmem:$0x1D400] =	vst v63  }
0xfe: {  	s17 =	sld [smem:$0x7CF]  }
0xff: {  	[tilespmem:s22], [sflag:$0x1] =	stream.indirect.gather [hbm4b:s3+s5], $0x20, s28, s5, $0xb8;
	[tilespmem:$0x1D400] =	vst v63  }
0x100: {  	s28 =	sld [smem:$0x7D0]  }
0x101: {  	[tilespmem:s26], [sflag:$0x1] =	stream.indirect.gather [hbm4b:s3+s5], $0x20, s17, s5, $0xb8;
	[tilespmem:$0x1D400] =	vst v63  }
0x102: {  	s17 =	sld [smem:$0x7D1]  }
0x103: {  	[tilespmem:s29], [sflag:$0x1] =	stream.indirect.gather [hbm4b:s3+s5], $0x20, s28, s5, $0xb8;
	[tilespmem:$0x1D400] =	vst v63  }
0x104: {  	s28 =	sld [smem:$0x7D2]  }
0x105: {  	[tilespmem:s23], [sflag:$0x1] =	stream.indirect.gather [hbm4b:s3+s5], $0x20, s17, s5, $0xb8;
	[tilespmem:$0x1D400] =	vst v63  }
0x106: {  	s17 =	sld [smem:$0x7D3]  }
0x107: {  	[tilespmem:s24], [sflag:$0x1] =	stream.indirect.gather [hbm4b:s3+s5], $0x20, s28, s5, $0xb8;
	[tilespmem:$0x1D400] =	vst v63  }
0x108: {  	s28 =	sld [smem:$0x7D4]  }
0x109: {  	[tilespmem:s15], [sflag:$0x1] =	stream.indirect.gather [hbm4b:s3+s5], $0x20, s17, s5, $0xb8;
	[tilespmem:$0x1D400] =	vst v63  }
0x10a: {  	s17 =	sld [smem:$0x7D5]  }
0x10b: {  	[tilespmem:s11], [sflag:$0x1] =	stream.indirect.gather [hbm4b:s3+s5], $0x20, s28, s5, $0xb8;
	[tilespmem:$0x1D400] =	vst v63  }
0x10c: {  	s12 =	sld [smem:$0x7D6];
	s28 =	simm.s32 $0xE400  }
0x10d: {  	[tilespmem:s28], [sflag:$0x1] =	stream.indirect.gather [hbm4b:s3+s5], $0x20, s17, s5, $0xb8;
	[tilespmem:$0x1D400] =	vst v63  }
0x10e: {  	s17 =	simm.s32 $0xF400  }
0x10f: {  	[tilespmem:s17], [sflag:$0x1] =	stream.indirect.gather [hbm4b:s3+s5], $0x20, s12, s5, $0xb8;
	[tilespmem:$0x1D400] =	vst v63  }
0x110: {  	_ =	swait.ge [sflag:s9], $0xD000  }
0x111: {  	[sflag:s9] =	ssyncset.done $0x0  }
0x112: {  	s28 =	rddreg [dreg:$0x7];
	[sflag:s9] =	ssyncadd.s32 $0xFFFF3000  }
0x113: {  	[hbm4b:s28+s2] =	stream.linear.scatter [tilespmem:s6], [sflag:$0x4], $0xD000, $0x38;
	[tilespmem:$0x1D400] =	vst v63  }
0x114: {  	_ =	swait.ge [sflag:s7], $0xD000  }
0x115: {  	s14 =	sld [smem:$0x7D7]  }
0x116: {  	[sflag:s7] =	ssyncset.done $0x0  }
0x117: {  	s17 =	sld [smem:$0x7D8];
	[sflag:s7] =	ssyncadd.s32 $0xFFFF3000  }
0x118: {  	[tilespmem:s6], [sflag:$0x2] =	stream.indirect.gather [hbm4b:s3+s5], $0x20, s14, s5, $0xb8;
	[tilespmem:$0x1D400] =	vst v63  }
0x119: {  	s28 =	simm.s32 $0x11400;
	s12 =	sld [smem:$0x7D9]  }
0x11a: {  	[tilespmem:s28], [sflag:$0x2] =	stream.indirect.gather [hbm4b:s3+s5], $0x20, s17, s5, $0xb8;
	[tilespmem:$0x1D400] =	vst v63  }
0x11b: {  	s17 =	sld [smem:$0x7DA]  }
0x11c: {  	[tilespmem:s16], [sflag:$0x2] =	stream.indirect.gather [hbm4b:s3+s5], $0x20, s12, s5, $0xb8;
	[tilespmem:$0x1D400] =	vst v63  }
0x11d: {  	s28 =	sld [smem:$0x7DB]  }
0x11e: {  	[tilespmem:s1], [sflag:$0x2] =	stream.indirect.gather [hbm4b:s3+s5], $0x20, s17, s5, $0xb8;
	[tilespmem:$0x1D400] =	vst v63  }
0x11f: {  	s1 =	sld [smem:$0x7DC]  }
0x120: {  	[tilespmem:s31], [sflag:$0x2] =	stream.indirect.gather [hbm4b:s3+s5], $0x20, s28, s5, $0xb8;
	[tilespmem:$0x1D400] =	vst v63  }
0x121: {  	s17 =	sld [smem:$0x7DD]  }
0x122: {  	[tilespmem:s0], [sflag:$0x2] =	stream.indirect.gather [hbm4b:s3+s5], $0x20, s1, s5, $0xb8;
	[tilespmem:$0x1D400] =	vst v63  }
0x123: {  	s14 =	sld [smem:$0x7DE];
	s28 =	simm.s32 $0x16400  }
0x124: {  	[tilespmem:s28], [sflag:$0x2] =	stream.indirect.gather [hbm4b:s3+s5], $0x20, s17, s5, $0xb8;
	[tilespmem:$0x1D400] =	vst v63  }
0x125: {  	s18 =	simm.s32 $0x17400;
	s1 =	sld [smem:$0x7DF]  }
0x126: {  	[tilespmem:s18], [sflag:$0x2] =	stream.indirect.gather [hbm4b:s3+s5], $0x20, s14, s5, $0xb8;
	[tilespmem:$0x1D400] =	vst v63  }
0x127: {  	s18 =	sld [smem:$0x7E0]  }
0x128: {  	[tilespmem:s10], [sflag:$0x2] =	stream.indirect.gather [hbm4b:s3+s5], $0x20, s1, s5, $0xb8;
	[tilespmem:$0x1D400] =	vst v63  }
0x129: {  	s20 =	simm.s32 $0x19400;
	s12 =	sld [smem:$0x7E1]  }
0x12a: {  	[tilespmem:s20], [sflag:$0x2] =	stream.indirect.gather [hbm4b:s3+s5], $0x20, s18, s5, $0xb8;
	[tilespmem:$0x1D400] =	vst v63  }
0x12b: {  	s14 =	sld [smem:$0x7E2];
	s1 =	simm.s32 $0x1A400  }
0x12c: {  	[tilespmem:s1], [sflag:$0x2] =	stream.indirect.gather [hbm4b:s3+s5], $0x20, s12, s5, $0xb8;
	[tilespmem:$0x1D400] =	vst v63  }
0x12d: {  	s12 =	sld [smem:$0x7E3];
	s1 =	simm.s32 $0x1B400  }
0x12e: {  	[tilespmem:s1], [sflag:$0x2] =	stream.indirect.gather [hbm4b:s3+s5], $0x20, s14, s5, $0xb8;
	[tilespmem:$0x1D400] =	vst v63  }
0x12f: {  	s1 =	simm.s32 $0x1C400  }
0x130: {  	[tilespmem:s1], [sflag:$0x2] =	stream.indirect.gather [hbm4b:s3+s5], $0x20, s12, s5, $0xb8;
	[tilespmem:$0x1D400] =	vst v63  }
0x131: {  	_ =	swait.ge [sflag:s13], $0xD000  }
0x132: {  	[sflag:s13] =	ssyncset.done $0x0  }
0x133: {  	s14 =	rddreg [dreg:$0x8];
	[sflag:s13] =	ssyncadd.s32 $0xFFFF3000  }
0x134: {  	[hbm4b:s14+s2] =	stream.linear.scatter [tilespmem:s30], [sflag:$0x3], $0xD000, $0x38;
	[tilespmem:$0x1D400] =	vst v63  }
0x135: {  	_ =	swait.ge [sflag:s8], $0xD000  }
0x136: {  	s12 =	sld [smem:$0x7E4]  }
0x137: {  	[sflag:s8] =	ssyncset.done $0x0  }
0x138: {  	s14 =	sld [smem:$0x7E5];
	[sflag:s8] =	ssyncadd.s32 $0xFFFF3000  }
0x139: {  	[tilespmem:s30], [sflag:$0x1] =	stream.indirect.gather [hbm4b:s3+s5], $0x20, s12, s5, $0xb8;
	[tilespmem:$0x1D400] =	vst v63  }
0x13a: {  	s4 =	simm.s32 $0x4400;
	s12 =	sld [smem:$0x7E6]  }
0x13b: {  	[tilespmem:s4], [sflag:$0x1] =	stream.indirect.gather [hbm4b:s3+s5], $0x20, s14, s5, $0xb8;
	[tilespmem:$0x1D400] =	vst v63  }
0x13c: {  	s4 =	sld [smem:$0x7E7]  }
0x13d: {  	[tilespmem:s21], [sflag:$0x1] =	stream.indirect.gather [hbm4b:s3+s5], $0x20, s12, s5, $0xb8;
	[tilespmem:$0x1D400] =	vst v63  }
0x13e: {  	s21 =	sld [smem:$0x7E8]  }
0x13f: {  	[tilespmem:s25], [sflag:$0x1] =	stream.indirect.gather [hbm4b:s3+s5], $0x20, s4, s5, $0xb8;
	[tilespmem:$0x1D400] =	vst v63  }
0x140: {  	s4 =	sld [smem:$0x7E9]  }
0x141: {  	[tilespmem:s22], [sflag:$0x1] =	stream.indirect.gather [hbm4b:s3+s5], $0x20, s21, s5, $0xb8;
	[tilespmem:$0x1D400] =	vst v63  }
0x142: {  	s21 =	sld [smem:$0x7EA]  }
0x143: {  	[tilespmem:s26], [sflag:$0x1] =	stream.indirect.gather [hbm4b:s3+s5], $0x20, s4, s5, $0xb8;
	[tilespmem:$0x1D400] =	vst v63  }
0x144: {  	s22 =	sld [smem:$0x7EB]  }
0x145: {  	[tilespmem:s29], [sflag:$0x1] =	stream.indirect.gather [hbm4b:s3+s5], $0x20, s21, s5, $0xb8;
	[tilespmem:$0x1D400] =	vst v63  }
0x146: {  	s25 =	sld [smem:$0x7EC]  }
0x147: {  	[tilespmem:s23], [sflag:$0x1] =	stream.indirect.gather [hbm4b:s3+s5], $0x20, s22, s5, $0xb8;
	[tilespmem:$0x1D400] =	vst v63  }
0x148: {  	s26 =	sld [smem:$0x7ED]  }
0x149: {  	[tilespmem:s24], [sflag:$0x1] =	stream.indirect.gather [hbm4b:s3+s5], $0x20, s25, s5, $0xb8;
	[tilespmem:$0x1D400] =	vst v63  }
0x14a: {  	s29 =	sld [smem:$0x7EE]  }
0x14b: {  	[tilespmem:s15], [sflag:$0x1] =	stream.indirect.gather [hbm4b:s3+s5], $0x20, s26, s5, $0xb8;
	[tilespmem:$0x1D400] =	vst v63  }
0x14c: {  	s4 =	sld [smem:$0x7EF]  }
0x14d: {  	[tilespmem:s11], [sflag:$0x1] =	stream.indirect.gather [hbm4b:s3+s5], $0x20, s29, s5, $0xb8;
	[tilespmem:$0x1D400] =	vst v63  }
0x14e: {  	s21 =	simm.s32 $0xE400;
	s15 =	sld [smem:$0x7F0]  }
0x14f: {  	[tilespmem:s21], [sflag:$0x1] =	stream.indirect.gather [hbm4b:s3+s5], $0x20, s4, s5, $0xb8;
	[tilespmem:$0x1D400] =	vst v63  }
0x150: {  	s22 =	simm.s32 $0xF400  }
0x151: {  	[tilespmem:s22], [sflag:$0x1] =	stream.indirect.gather [hbm4b:s3+s5], $0x20, s15, s5, $0xb8;
	[tilespmem:$0x1D400] =	vst v63  }
0x152: {  	_ =	swait.ge [sflag:s9], $0xD000  }
0x153: {  	[sflag:s9] =	ssyncset.done $0x0  }
0x154: {  	s23 =	rddreg [dreg:$0x9];
	[sflag:s9] =	ssyncadd.s32 $0xFFFF3000  }
0x155: {  	[hbm4b:s23+s2] =	stream.linear.scatter [tilespmem:s6], [sflag:$0x4], $0xD000, $0x38;
	[tilespmem:$0x1D400] =	vst v63  }
0x156: {  	_ =	swait.ge [sflag:s7], $0xD000  }
0x157: {  	s24 =	sld [smem:$0x7F1]  }
0x158: {  	[sflag:s7] =	ssyncset.done $0x0  }
0x159: {  	s25 =	sld [smem:$0x7F2];
	[sflag:s7] =	ssyncadd.s32 $0xFFFF3000  }
0x15a: {  	[tilespmem:s6], [sflag:$0x2] =	stream.indirect.gather [hbm4b:s3+s5], $0x20, s24, s5, $0xb8;
	[tilespmem:$0x1D400] =	vst v63  }
0x15b: {  	s29 =	simm.s32 $0x11400;
	s26 =	sld [smem:$0x7F3]  }
0x15c: {  	[tilespmem:s29], [sflag:$0x2] =	stream.indirect.gather [hbm4b:s3+s5], $0x20, s25, s5, $0xb8;
	[tilespmem:$0x1D400] =	vst v63  }
0x15d: {  	s16 =	simm.s32 $0x12400;
	s4 =	sld [smem:$0x7F4]  }
0x15e: {  	[tilespmem:s16], [sflag:$0x2] =	stream.indirect.gather [hbm4b:s3+s5], $0x20, s26, s5, $0xb8;
	[tilespmem:$0x1D400] =	vst v63  }
0x15f: {  	s11 =	simm.s32 $0x13400;
	s6 =	sld [smem:$0x7F5]  }
0x160: {  	[tilespmem:s11], [sflag:$0x2] =	stream.indirect.gather [hbm4b:s3+s5], $0x20, s4, s5, $0xb8;
	[tilespmem:$0x1D400] =	vst v63  }
0x161: {  	s15 =	sld [smem:$0x7F6]  }
0x162: {  	[tilespmem:s31], [sflag:$0x2] =	stream.indirect.gather [hbm4b:s3+s5], $0x20, s6, s5, $0xb8;
	[tilespmem:$0x1D400] =	vst v63  }
0x163: {  	s16 =	sld [smem:$0x7F7]  }
0x164: {  	[tilespmem:s0], [sflag:$0x2] =	stream.indirect.gather [hbm4b:s3+s5], $0x20, s15, s5, $0xb8;
	[tilespmem:$0x1D400] =	vst v63  }
0x165: {  	s28 =	simm.s32 $0x16400;
	s21 =	sld [smem:$0x7F8]  }
0x166: {  	[tilespmem:s28], [sflag:$0x2] =	stream.indirect.gather [hbm4b:s3+s5], $0x20, s16, s5, $0xb8;
	[tilespmem:$0x1D400] =	vst v63  }
0x167: {  	s17 =	simm.s32 $0x17400;
	s22 =	sld [smem:$0x7F9]  }
0x168: {  	[tilespmem:s17], [sflag:$0x2] =	stream.indirect.gather [hbm4b:s3+s5], $0x20, s21, s5, $0xb8;
	[tilespmem:$0x1D400] =	vst v63  }
0x169: {  	s23 =	sld [smem:$0x7FA]  }
0x16a: {  	[tilespmem:s10], [sflag:$0x2] =	stream.indirect.gather [hbm4b:s3+s5], $0x20, s22, s5, $0xb8;
	[tilespmem:$0x1D400] =	vst v63  }
0x16b: {  	s18 =	simm.s32 $0x19400;
	s24 =	sld [smem:$0x7FB]  }
0x16c: {  	[tilespmem:s18], [sflag:$0x2] =	stream.indirect.gather [hbm4b:s3+s5], $0x20, s23, s5, $0xb8;
	[tilespmem:$0x1D400] =	vst v63  }
0x16d: {  	s20 =	simm.s32 $0x1A400;
	s25 =	sld [smem:$0x7FC]  }
0x16e: {  	[tilespmem:s20], [sflag:$0x2] =	stream.indirect.gather [hbm4b:s3+s5], $0x20, s24, s5, $0xb8;
	[tilespmem:$0x1D400] =	vst v63  }
0x16f: {  	s26 =	sld [smem:$0x7FD];
	s28 =	simm.s32 $0x1B400  }
0x170: {  	[tilespmem:s28], [sflag:$0x2] =	stream.indirect.gather [hbm4b:s3+s5], $0x20, s25, s5, $0xb8;
	[tilespmem:$0x1D400] =	vst v63  }
0x171: {  	_ = 	snop  }
0x172: {  	[tilespmem:s1], [sflag:$0x2] =	stream.indirect.gather [hbm4b:s3+s5], $0x20, s26, s5, $0xb8;
	[tilespmem:$0x1D400] =	vst v63  }
0x173: {  	_ =	swait.ge [sflag:s13], $0xD000  }
0x174: {  	[sflag:s13] =	ssyncset.done $0x0  }
0x175: {  	s29 =	rddreg [dreg:$0xa];
	[sflag:s13] =	ssyncadd.s32 $0xFFFF3000  }
0x176: {  	[hbm4b:s29+s2] =	stream.linear.scatter [tilespmem:s30], [sflag:$0x3], $0xD000, $0x38;
	[tilespmem:$0x1D400] =	vst v63  }
0x177: {  	_ =	swait.ge [sflag:s9], $0xD000  }
0x178: {  	p1 =	sne.s32 s19, $0x1;
	[sflag:s9] =	ssyncset.done $0x0  }
0x179: {  	s4 =	simm.s32 $0x10400;
	s31 =	rddreg [dreg:$0xb];
	[sflag:s9] =	ssyncadd.s32 $0xFFFF3000  }
0x17a: {  	[hbm4b:s31+s2] =	stream.linear.scatter [tilespmem:s4], [sflag:$0x4], $0xD000, $0x38;
	[tilespmem:$0x1D400] =	vst v63  }
.Ltmp1:
0x17b: {  	_ =	swait.ge [sflag:s8], $0xD000;
	(pc) =	sbr.rel @!p1 .LBB2_6-.Ltmp1, $4  }
0x17c: {  	[sflag:s8] =	ssyncset.done $0x0  }
0x17d: {  	[sflag:s8] =	ssyncadd.s32 $0xFFFF3000  }
0x17e: {  	p0 =	por $0x1, $0x1;
	_ =	swait.ge [sflag:s7], $0xD000  }
0x17f: {  	s12 =	sadd.s32 $0xFFFFFFFF, s19;
	s14 =	rddreg [dreg:$0x3];
	[sflag:s7] =	ssyncset.done $0x0  }
0x180: {  	s16 =	simm.s32 $0x3400;
	s17 =	simm.s32 $0x0;
	s31 =	simm.s32 $0x10400  }
.LBB2_3:
0x181: {  	[sflag:s7] =	ssyncadd.s32 $0xFFFF3000;
	s0 =	simm.s32 $0x5  }
0x182: {  	[tilespmem:s2], [sflag:$0x5] =	stream.linear.gather [hbm4b:s14+s2], $0x3400, $0x38;
	[tilespmem:$0x1D400] =	vst v63  }
0x183: {  	_ =	swait.ge [sflag:s0], $0x3400  }
0x184: {  	[sflag:s0] =	ssyncset.done $0x0  }
0x185: {  	[sflag:s0] =	ssyncadd.s32 $0xFFFFCC00  }
0x186: {  	[tilespmem:s30], [sflag:$0x1] =	stream.indirect.gather [hbm4b:s3+s5], $0x20, s2, s5, $0xb8;
	[tilespmem:$0x1D400] =	vst v63  }
0x187: {  	s28 =	simm.s32 $0x4400;
	s26 =	rddreg [dreg:$0xc]  }
0x188: {  	[tilespmem:s28], [sflag:$0x1] =	stream.indirect.gather [hbm4b:s3+s5], $0x20, s5, s5, $0xb8;
	[tilespmem:$0x1D400] =	vst v63  }
0x189: {  	s29 =	simm.s32 $0x5400;
	s15 =	rddreg [dreg:$0xd]  }
0x18a: {  	[tilespmem:s29], [sflag:$0x1] =	stream.indirect.gather [hbm4b:s3+s5], $0x20, s26, s5, $0xb8;
	[tilespmem:$0x1D400] =	vst v63  }
0x18b: {  	s1 =	rddreg [dreg:$0xe];
	s2 =	simm.s32 $0x6400  }
0x18c: {  	[tilespmem:s2], [sflag:$0x1] =	stream.indirect.gather [hbm4b:s3+s5], $0x20, s15, s5, $0xb8;
	[tilespmem:$0x1D400] =	vst v63  }
0x18d: {  	s7 =	simm.s32 $0x7400;
	s6 =	rddreg [dreg:$0xf]  }
0x18e: {  	[tilespmem:s7], [sflag:$0x1] =	stream.indirect.gather [hbm4b:s3+s5], $0x20, s1, s5, $0xb8;
	[tilespmem:$0x1D400] =	vst v63  }
0x18f: {  	s9 =	simm.s32 $0x8400;
	s8 =	rddreg [dreg:$0x10]  }
0x190: {  	[tilespmem:s9], [sflag:$0x1] =	stream.indirect.gather [hbm4b:s3+s5], $0x20, s6, s5, $0xb8;
	[tilespmem:$0x1D400] =	vst v63  }
0x191: {  	s11 =	simm.s32 $0x9400;
	s10 =	rddreg [dreg:$0x11]  }
0x192: {  	[tilespmem:s11], [sflag:$0x1] =	stream.indirect.gather [hbm4b:s3+s5], $0x20, s8, s5, $0xb8;
	[tilespmem:$0x1D400] =	vst v63  }
0x193: {  	s18 =	simm.s32 $0xA400;
	s13 =	rddreg [dreg:$0x12]  }
0x194: {  	[tilespmem:s18], [sflag:$0x1] =	stream.indirect.gather [hbm4b:s3+s5], $0x20, s10, s5, $0xb8;
	[tilespmem:$0x1D400] =	vst v63  }
0x195: {  	s24 =	simm.s32 $0xB400;
	s19 =	rddreg [dreg:$0x13]  }
0x196: {  	[tilespmem:s24], [sflag:$0x1] =	stream.indirect.gather [hbm4b:s3+s5], $0x20, s13, s5, $0xb8;
	[tilespmem:$0x1D400] =	vst v63  }
0x197: {  	s26 =	rddreg [dreg:$0x14];
	s1 =	simm.s32 $0xC400  }
0x198: {  	[tilespmem:s1], [sflag:$0x1] =	stream.indirect.gather [hbm4b:s3+s5], $0x20, s19, s5, $0xb8;
	[tilespmem:$0x1D400] =	vst v63  }
0x199: {  	s2 =	rddreg [dreg:$0x15];
	s6 =	simm.s32 $0xD400  }
0x19a: {  	[tilespmem:s6], [sflag:$0x1] =	stream.indirect.gather [hbm4b:s3+s5], $0x20, s26, s5, $0xb8;
	[tilespmem:$0x1D400] =	vst v63  }
0x19b: {  	s7 =	rddreg [dreg:$0x16];
	s9 =	simm.s32 $0xE400  }
0x19c: {  	[tilespmem:s9], [sflag:$0x1] =	stream.indirect.gather [hbm4b:s3+s5], $0x20, s2, s5, $0xb8;
	[tilespmem:$0x1D400] =	vst v63  }
0x19d: {  	s10 =	rddreg [dreg:$0x17];
	s1 =	simm.s32 $0xF400  }
0x19e: {  	[tilespmem:s1], [sflag:$0x1] =	stream.indirect.gather [hbm4b:s3+s5], $0x20, s7, s5, $0xb8;
	[tilespmem:$0x1D400] =	vst v63  }
0x19f: {  	s18 =	rddreg [dreg:$0x18]  }
0x1a0: {  	[tilespmem:s4], [sflag:$0x2] =	stream.indirect.gather [hbm4b:s3+s5], $0x20, s10, s5, $0xb8;
	[tilespmem:$0x1D400] =	vst v63  }
0x1a1: {  	s19 =	rddreg [dreg:$0x19];
	s26 =	simm.s32 $0x11400  }
0x1a2: {  	[tilespmem:s26], [sflag:$0x2] =	stream.indirect.gather [hbm4b:s3+s5], $0x20, s18, s5, $0xb8;
	[tilespmem:$0x1D400] =	vst v63  }
0x1a3: {  	s6 =	simm.s32 $0x12400;
	s1 =	rddreg [dreg:$0x1a]  }
0x1a4: {  	[tilespmem:s6], [sflag:$0x2] =	stream.indirect.gather [hbm4b:s3+s5], $0x20, s19, s5, $0xb8;
	[tilespmem:$0x1D400] =	vst v63  }
0x1a5: {  	s7 =	rddreg [dreg:$0x1b];
	s10 =	simm.s32 $0x13400  }
0x1a6: {  	[tilespmem:s10], [sflag:$0x2] =	stream.indirect.gather [hbm4b:s3+s5], $0x20, s1, s5, $0xb8;
	[tilespmem:$0x1D400] =	vst v63  }
0x1a7: {  	s4 =	rddreg [dreg:$0x1f];
	s1 =	simm.s32 $0x14400  }
0x1a8: {  	[tilespmem:s1], [sflag:$0x2] =	stream.indirect.gather [hbm4b:s3+s5], $0x20, s7, s5, $0xb8;
	[tilespmem:$0x1D400] =	vst v63  }
0x1a9: {  	s19 =	rddreg [dreg:$0x1c];
	s7 =	simm.s32 $0x15400  }
0x1aa: {  	[tilespmem:s7], [sflag:$0x2] =	stream.indirect.gather [hbm4b:s3+s5], $0x20, s19, s5, $0xb8;
	[tilespmem:$0x1D400] =	vst v63  }
0x1ab: {  	s6 =	rddreg [dreg:$0x1d];
	s19 =	simm.s32 $0x16400  }
0x1ac: {  	[tilespmem:s19], [sflag:$0x2] =	stream.indirect.gather [hbm4b:s3+s5], $0x20, s6, s5, $0xb8;
	[tilespmem:$0x1D400] =	vst v63  }
0x1ad: {  	s10 =	rddreg [dreg:$0x1e];
	s6 =	simm.s32 $0x17400  }
0x1ae: {  	[tilespmem:s6], [sflag:$0x2] =	stream.indirect.gather [hbm4b:s3+s5], $0x20, s10, s5, $0xb8;
	[tilespmem:$0x1D400] =	vst v63  }
0x1af: {  	s1 =	simm.s32 $0x18400;
	s10 =	sld [smem:$0x7AC]  }
0x1b0: {  	[tilespmem:s1], [sflag:$0x2] =	stream.indirect.gather [hbm4b:s3+s5], $0x20, s4, s5, $0xb8;
	[tilespmem:$0x1D400] =	vst v63  }
0x1b1: {  	s19 =	simm.s32 $0x19400;
	s4 =	sld [smem:$0x7AD]  }
0x1b2: {  	[tilespmem:s19], [sflag:$0x2] =	stream.indirect.gather [hbm4b:s3+s5], $0x20, s10, s5, $0xb8;
	[tilespmem:$0x1D400] =	vst v63  }
0x1b3: {  	s1 =	sld [smem:$0x7AE];
	s10 =	simm.s32 $0x1A400  }
0x1b4: {  	[tilespmem:s10], [sflag:$0x2] =	stream.indirect.gather [hbm4b:s3+s5], $0x20, s4, s5, $0xb8;
	[tilespmem:$0x1D400] =	vst v63  }
0x1b5: {  	s4 =	sld [smem:$0x7AF];
	s10 =	simm.s32 $0x1B400  }
0x1b6: {  	[tilespmem:s10], [sflag:$0x2] =	stream.indirect.gather [hbm4b:s3+s5], $0x20, s1, s5, $0xb8;
	[tilespmem:$0x1D400] =	vst v63  }
0x1b7: {  	s14 =	simm.s32 $0x1C400;
	s0 =	simm.s32 $0x1  }
0x1b8: {  	[tilespmem:s14], [sflag:$0x2] =	stream.indirect.gather [hbm4b:s3+s5], $0x20, s4, s5, $0xb8;
	[tilespmem:$0x1D400] =	vst v63  }
0x1b9: {  	_ =	swait.ge [sflag:s0], $0xD000  }
0x1ba: {  	[sflag:s0] =	ssyncset.done $0x0  }
0x1bb: {  	s9 =	simm.s32 $0x3;
	s15 =	rddreg [dreg:$0x4];
	[sflag:s0] =	ssyncadd.s32 $0xFFFF3000  }
0x1bc: {  	[hbm4b:s15+s17] =	stream.linear.scatter [tilespmem:s16], [sflag:$0x3], $0xD000, $0x38;
	[tilespmem:$0x1D400] =	vst v63  }
0x1bd: {  	_ =	swait.ge [sflag:s9], $0xD000  }
0x1be: {  	s0 =	sld [smem:$0x7B0]  }
0x1bf: {  	[sflag:s9] =	ssyncset.done $0x0  }
0x1c0: {  	s1 =	sld [smem:$0x7B1];
	[sflag:s9] =	ssyncadd.s32 $0xFFFF3000  }
0x1c1: {  	[tilespmem:s16], [sflag:$0x1] =	stream.indirect.gather [hbm4b:s3+s5], $0x20, s0, s5, $0xb8;
	[tilespmem:$0x1D400] =	vst v63  }
0x1c2: {  	s30 =	simm.s32 $0x4400;
	s4 =	sld [smem:$0x7B2]  }
0x1c3: {  	[tilespmem:s30], [sflag:$0x1] =	stream.indirect.gather [hbm4b:s3+s5], $0x20, s1, s5, $0xb8;
	[tilespmem:$0x1D400] =	vst v63  }
0x1c4: {  	s29 =	simm.s32 $0x5400;
	s10 =	sld [smem:$0x7B3]  }
0x1c5: {  	[tilespmem:s29], [sflag:$0x1] =	stream.indirect.gather [hbm4b:s3+s5], $0x20, s4, s5, $0xb8;
	[tilespmem:$0x1D400] =	vst v63  }
0x1c6: {  	s28 =	simm.s32 $0x6400;
	s0 =	sld [smem:$0x7B4]  }
0x1c7: {  	[tilespmem:s28], [sflag:$0x1] =	stream.indirect.gather [hbm4b:s3+s5], $0x20, s10, s5, $0xb8;
	[tilespmem:$0x1D400] =	vst v63  }
0x1c8: {  	s20 =	simm.s32 $0x7400;
	s1 =	sld [smem:$0x7B5]  }
0x1c9: {  	[tilespmem:s20], [sflag:$0x1] =	stream.indirect.gather [hbm4b:s3+s5], $0x20, s0, s5, $0xb8;
	[tilespmem:$0x1D400] =	vst v63  }
0x1ca: {  	s23 =	simm.s32 $0x8400;
	s4 =	sld [smem:$0x7B6]  }
0x1cb: {  	[tilespmem:s23], [sflag:$0x1] =	stream.indirect.gather [hbm4b:s3+s5], $0x20, s1, s5, $0xb8;
	[tilespmem:$0x1D400] =	vst v63  }
0x1cc: {  	s25 =	simm.s32 $0x9400;
	s10 =	sld [smem:$0x7B7]  }
0x1cd: {  	[tilespmem:s25], [sflag:$0x1] =	stream.indirect.gather [hbm4b:s3+s5], $0x20, s4, s5, $0xb8;
	[tilespmem:$0x1D400] =	vst v63  }
0x1ce: {  	s21 =	simm.s32 $0xA400;
	s20 =	sld [smem:$0x7B8]  }
0x1cf: {  	[tilespmem:s21], [sflag:$0x1] =	stream.indirect.gather [hbm4b:s3+s5], $0x20, s10, s5, $0xb8;
	[tilespmem:$0x1D400] =	vst v63  }
0x1d0: {  	s22 =	simm.s32 $0xB400;
	s21 =	sld [smem:$0x7B9]  }
0x1d1: {  	[tilespmem:s22], [sflag:$0x1] =	stream.indirect.gather [hbm4b:s3+s5], $0x20, s20, s5, $0xb8;
	[tilespmem:$0x1D400] =	vst v63  }
0x1d2: {  	s11 =	simm.s32 $0xC400;
	s22 =	sld [smem:$0x7BA]  }
0x1d3: {  	[tilespmem:s11], [sflag:$0x1] =	stream.indirect.gather [hbm4b:s3+s5], $0x20, s21, s5, $0xb8;
	[tilespmem:$0x1D400] =	vst v63  }
0x1d4: {  	s24 =	simm.s32 $0xD400;
	s23 =	sld [smem:$0x7BB]  }
0x1d5: {  	[tilespmem:s24], [sflag:$0x1] =	stream.indirect.gather [hbm4b:s3+s5], $0x20, s22, s5, $0xb8;
	[tilespmem:$0x1D400] =	vst v63  }
0x1d6: {  	s0 =	sld [smem:$0x7BC];
	s11 =	simm.s32 $0xE400  }
0x1d7: {  	[tilespmem:s11], [sflag:$0x1] =	stream.indirect.gather [hbm4b:s3+s5], $0x20, s23, s5, $0xb8;
	[tilespmem:$0x1D400] =	vst v63  }
0x1d8: {  	s13 =	simm.s32 $0x2;
	s2 =	simm.s32 $0xF400  }
0x1d9: {  	[tilespmem:s2], [sflag:$0x1] =	stream.indirect.gather [hbm4b:s3+s5], $0x20, s0, s5, $0xb8;
	[tilespmem:$0x1D400] =	vst v63  }
0x1da: {  	_ =	swait.ge [sflag:s13], $0xD000  }
0x1db: {  	[sflag:s13] =	ssyncset.done $0x0  }
0x1dc: {  	s8 =	simm.s32 $0x4;
	s1 =	rddreg [dreg:$0x5];
	[sflag:s13] =	ssyncadd.s32 $0xFFFF3000  }
0x1dd: {  	[hbm4b:s1+s17] =	stream.linear.scatter [tilespmem:s31], [sflag:$0x4], $0xD000, $0x38;
	[tilespmem:$0x1D400] =	vst v63  }
0x1de: {  	_ =	swait.ge [sflag:s8], $0xD000  }
0x1df: {  	s2 =	sld [smem:$0x7BD]  }
0x1e0: {  	[sflag:s8] =	ssyncset.done $0x0  }
0x1e1: {  	s4 =	sld [smem:$0x7BE];
	[sflag:s8] =	ssyncadd.s32 $0xFFFF3000  }
0x1e2: {  	[tilespmem:s31], [sflag:$0x2] =	stream.indirect.gather [hbm4b:s3+s5], $0x20, s2, s5, $0xb8;
	[tilespmem:$0x1D400] =	vst v63  }
0x1e3: {  	s18 =	simm.s32 $0x11400;
	s10 =	sld [smem:$0x7BF]  }
0x1e4: {  	[tilespmem:s18], [sflag:$0x2] =	stream.indirect.gather [hbm4b:s3+s5], $0x20, s4, s5, $0xb8;
	[tilespmem:$0x1D400] =	vst v63  }
0x1e5: {  	s0 =	simm.s32 $0x12400;
	s18 =	sld [smem:$0x7C0]  }
0x1e6: {  	[tilespmem:s0], [sflag:$0x2] =	stream.indirect.gather [hbm4b:s3+s5], $0x20, s10, s5, $0xb8;
	[tilespmem:$0x1D400] =	vst v63  }
0x1e7: {  	s26 =	simm.s32 $0x13400;
	s20 =	sld [smem:$0x7C1]  }
0x1e8: {  	[tilespmem:s26], [sflag:$0x2] =	stream.indirect.gather [hbm4b:s3+s5], $0x20, s18, s5, $0xb8;
	[tilespmem:$0x1D400] =	vst v63  }
0x1e9: {  	s22 =	sld [smem:$0x7C2];
	s10 =	simm.s32 $0x14400  }
0x1ea: {  	[tilespmem:s10], [sflag:$0x2] =	stream.indirect.gather [hbm4b:s3+s5], $0x20, s20, s5, $0xb8;
	[tilespmem:$0x1D400] =	vst v63  }
0x1eb: {  	s23 =	sld [smem:$0x7C3];
	s4 =	simm.s32 $0x15400  }
0x1ec: {  	[tilespmem:s4], [sflag:$0x2] =	stream.indirect.gather [hbm4b:s3+s5], $0x20, s22, s5, $0xb8;
	[tilespmem:$0x1D400] =	vst v63  }
0x1ed: {  	s7 =	simm.s32 $0x16400;
	s26 =	sld [smem:$0x7C4]  }
0x1ee: {  	[tilespmem:s7], [sflag:$0x2] =	stream.indirect.gather [hbm4b:s3+s5], $0x20, s23, s5, $0xb8;
	[tilespmem:$0x1D400] =	vst v63  }
0x1ef: {  	s6 =	simm.s32 $0x17400;
	s1 =	sld [smem:$0x7C5]  }
0x1f0: {  	[tilespmem:s6], [sflag:$0x2] =	stream.indirect.gather [hbm4b:s3+s5], $0x20, s26, s5, $0xb8;
	[tilespmem:$0x1D400] =	vst v63  }
0x1f1: {  	s2 =	simm.s32 $0x18400;
	s7 =	sld [smem:$0x7C6]  }
0x1f2: {  	[tilespmem:s2], [sflag:$0x2] =	stream.indirect.gather [hbm4b:s3+s5], $0x20, s1, s5, $0xb8;
	[tilespmem:$0x1D400] =	vst v63  }
0x1f3: {  	s20 =	sld [smem:$0x7C7];
	s6 =	simm.s32 $0x19400  }
0x1f4: {  	[tilespmem:s6], [sflag:$0x2] =	stream.indirect.gather [hbm4b:s3+s5], $0x20, s7, s5, $0xb8;
	[tilespmem:$0x1D400] =	vst v63  }
0x1f5: {  	s26 =	sld [smem:$0x7C8];
	s1 =	simm.s32 $0x1A400  }
0x1f6: {  	[tilespmem:s1], [sflag:$0x2] =	stream.indirect.gather [hbm4b:s3+s5], $0x20, s20, s5, $0xb8;
	[tilespmem:$0x1D400] =	vst v63  }
0x1f7: {  	s7 =	simm.s32 $0x1B400;
	s20 =	sld [smem:$0x7C9]  }
0x1f8: {  	[tilespmem:s7], [sflag:$0x2] =	stream.indirect.gather [hbm4b:s3+s5], $0x20, s26, s5, $0xb8;
	[tilespmem:$0x1D400] =	vst v63  }
0x1f9: {  	s19 =	simm.s32 $0x1C400;
	s13 =	simm.s32 $0x1  }
0x1fa: {  	[tilespmem:s19], [sflag:$0x2] =	stream.indirect.gather [hbm4b:s3+s5], $0x20, s20, s5, $0xb8;
	[tilespmem:$0x1D400] =	vst v63  }
0x1fb: {  	_ =	swait.ge [sflag:s13], $0xD000  }
0x1fc: {  	[sflag:s13] =	ssyncset.done $0x0  }
0x1fd: {  	s26 =	rddreg [dreg:$0x6];
	[sflag:s13] =	ssyncadd.s32 $0xFFFF3000  }
0x1fe: {  	[hbm4b:s26+s17] =	stream.linear.scatter [tilespmem:s16], [sflag:$0x3], $0xD000, $0x38;
	[tilespmem:$0x1D400] =	vst v63  }
0x1ff: {  	_ =	swait.ge [sflag:s9], $0xD000  }
0x200: {  	s15 =	sld [smem:$0x7CA]  }
0x201: {  	[sflag:s9] =	ssyncset.done $0x0  }
0x202: {  	s19 =	sld [smem:$0x7CB];
	[sflag:s9] =	ssyncadd.s32 $0xFFFF3000  }
0x203: {  	[tilespmem:s16], [sflag:$0x1] =	stream.indirect.gather [hbm4b:s3+s5], $0x20, s15, s5, $0xb8;
	[tilespmem:$0x1D400] =	vst v63  }
0x204: {  	s26 =	simm.s32 $0x4400;
	s14 =	sld [smem:$0x7CC]  }
0x205: {  	[tilespmem:s26], [sflag:$0x1] =	stream.indirect.gather [hbm4b:s3+s5], $0x20, s19, s5, $0xb8;
	[tilespmem:$0x1D400] =	vst v63  }
0x206: {  	s15 =	sld [smem:$0x7CD];
	s26 =	simm.s32 $0x5400  }
0x207: {  	[tilespmem:s26], [sflag:$0x1] =	stream.indirect.gather [hbm4b:s3+s5], $0x20, s14, s5, $0xb8;
	[tilespmem:$0x1D400] =	vst v63  }
0x208: {  	s14 =	sld [smem:$0x7CE];
	s26 =	simm.s32 $0x6400  }
0x209: {  	[tilespmem:s26], [sflag:$0x1] =	stream.indirect.gather [hbm4b:s3+s5], $0x20, s15, s5, $0xb8;
	[tilespmem:$0x1D400] =	vst v63  }
0x20a: {  	s28 =	simm.s32 $0x7400;
	s19 =	sld [smem:$0x7CF]  }
0x20b: {  	[tilespmem:s28], [sflag:$0x1] =	stream.indirect.gather [hbm4b:s3+s5], $0x20, s14, s5, $0xb8;
	[tilespmem:$0x1D400] =	vst v63  }
0x20c: {  	s14 =	sld [smem:$0x7D0];
	s28 =	simm.s32 $0x8400  }
0x20d: {  	[tilespmem:s28], [sflag:$0x1] =	stream.indirect.gather [hbm4b:s3+s5], $0x20, s19, s5, $0xb8;
	[tilespmem:$0x1D400] =	vst v63  }
0x20e: {  	s15 =	sld [smem:$0x7D1];
	s28 =	simm.s32 $0x9400  }
0x20f: {  	[tilespmem:s28], [sflag:$0x1] =	stream.indirect.gather [hbm4b:s3+s5], $0x20, s14, s5, $0xb8;
	[tilespmem:$0x1D400] =	vst v63  }
0x210: {  	s29 =	simm.s32 $0xA400;
	s14 =	sld [smem:$0x7D2]  }
0x211: {  	[tilespmem:s29], [sflag:$0x1] =	stream.indirect.gather [hbm4b:s3+s5], $0x20, s15, s5, $0xb8;
	[tilespmem:$0x1D400] =	vst v63  }
0x212: {  	s30 =	simm.s32 $0xB400;
	s19 =	sld [smem:$0x7D3]  }
0x213: {  	[tilespmem:s30], [sflag:$0x1] =	stream.indirect.gather [hbm4b:s3+s5], $0x20, s14, s5, $0xb8;
	[tilespmem:$0x1D400] =	vst v63  }
0x214: {  	s25 =	simm.s32 $0xC400;
	s14 =	sld [smem:$0x7D4]  }
0x215: {  	[tilespmem:s25], [sflag:$0x1] =	stream.indirect.gather [hbm4b:s3+s5], $0x20, s19, s5, $0xb8;
	[tilespmem:$0x1D400] =	vst v63  }
0x216: {  	s24 =	simm.s32 $0xD400;
	s19 =	sld [smem:$0x7D5]  }
0x217: {  	[tilespmem:s24], [sflag:$0x1] =	stream.indirect.gather [hbm4b:s3+s5], $0x20, s14, s5, $0xb8;
	[tilespmem:$0x1D400] =	vst v63  }
0x218: {  	s14 =	sld [smem:$0x7D6]  }
0x219: {  	[tilespmem:s11], [sflag:$0x1] =	stream.indirect.gather [hbm4b:s3+s5], $0x20, s19, s5, $0xb8;
	[tilespmem:$0x1D400] =	vst v63  }
0x21a: {  	s9 =	simm.s32 $0x2;
	s24 =	simm.s32 $0xF400  }
0x21b: {  	[tilespmem:s24], [sflag:$0x1] =	stream.indirect.gather [hbm4b:s3+s5], $0x20, s14, s5, $0xb8;
	[tilespmem:$0x1D400] =	vst v63  }
0x21c: {  	_ =	swait.ge [sflag:s9], $0xD000  }
0x21d: {  	[sflag:s9] =	ssyncset.done $0x0  }
0x21e: {  	s11 =	rddreg [dreg:$0x7];
	[sflag:s9] =	ssyncadd.s32 $0xFFFF3000  }
0x21f: {  	[hbm4b:s11+s17] =	stream.linear.scatter [tilespmem:s31], [sflag:$0x4], $0xD000, $0x38;
	[tilespmem:$0x1D400] =	vst v63  }
0x220: {  	_ =	swait.ge [sflag:s8], $0xD000  }
0x221: {  	s15 =	sld [smem:$0x7D7]  }
0x222: {  	[sflag:s8] =	ssyncset.done $0x0  }
0x223: {  	s24 =	sld [smem:$0x7D8];
	[sflag:s8] =	ssyncadd.s32 $0xFFFF3000  }
0x224: {  	[tilespmem:s31], [sflag:$0x2] =	stream.indirect.gather [hbm4b:s3+s5], $0x20, s15, s5, $0xb8;
	[tilespmem:$0x1D400] =	vst v63  }
0x225: {  	s21 =	simm.s32 $0x11400;
	s11 =	sld [smem:$0x7D9]  }
0x226: {  	[tilespmem:s21], [sflag:$0x2] =	stream.indirect.gather [hbm4b:s3+s5], $0x20, s24, s5, $0xb8;
	[tilespmem:$0x1D400] =	vst v63  }
0x227: {  	s21 =	sld [smem:$0x7DA]  }
0x228: {  	[tilespmem:s0], [sflag:$0x2] =	stream.indirect.gather [hbm4b:s3+s5], $0x20, s11, s5, $0xb8;
	[tilespmem:$0x1D400] =	vst v63  }
0x229: {  	s18 =	simm.s32 $0x13400;
	s11 =	sld [smem:$0x7DB]  }
0x22a: {  	[tilespmem:s18], [sflag:$0x2] =	stream.indirect.gather [hbm4b:s3+s5], $0x20, s21, s5, $0xb8;
	[tilespmem:$0x1D400] =	vst v63  }
0x22b: {  	s18 =	sld [smem:$0x7DC]  }
0x22c: {  	[tilespmem:s10], [sflag:$0x2] =	stream.indirect.gather [hbm4b:s3+s5], $0x20, s11, s5, $0xb8;
	[tilespmem:$0x1D400] =	vst v63  }
0x22d: {  	s14 =	sld [smem:$0x7DD]  }
0x22e: {  	[tilespmem:s4], [sflag:$0x2] =	stream.indirect.gather [hbm4b:s3+s5], $0x20, s18, s5, $0xb8;
	[tilespmem:$0x1D400] =	vst v63  }
0x22f: {  	s23 =	simm.s32 $0x16400;
	s18 =	sld [smem:$0x7DE]  }
0x230: {  	[tilespmem:s23], [sflag:$0x2] =	stream.indirect.gather [hbm4b:s3+s5], $0x20, s14, s5, $0xb8;
	[tilespmem:$0x1D400] =	vst v63  }
0x231: {  	s22 =	simm.s32 $0x17400;
	s4 =	sld [smem:$0x7DF]  }
0x232: {  	[tilespmem:s22], [sflag:$0x2] =	stream.indirect.gather [hbm4b:s3+s5], $0x20, s18, s5, $0xb8;
	[tilespmem:$0x1D400] =	vst v63  }
0x233: {  	s18 =	sld [smem:$0x7E0]  }
0x234: {  	[tilespmem:s2], [sflag:$0x2] =	stream.indirect.gather [hbm4b:s3+s5], $0x20, s4, s5, $0xb8;
	[tilespmem:$0x1D400] =	vst v63  }
0x235: {  	s2 =	sld [smem:$0x7E1]  }
0x236: {  	[tilespmem:s6], [sflag:$0x2] =	stream.indirect.gather [hbm4b:s3+s5], $0x20, s18, s5, $0xb8;
	[tilespmem:$0x1D400] =	vst v63  }
0x237: {  	s18 =	sld [smem:$0x7E2]  }
0x238: {  	[tilespmem:s1], [sflag:$0x2] =	stream.indirect.gather [hbm4b:s3+s5], $0x20, s2, s5, $0xb8;
	[tilespmem:$0x1D400] =	vst v63  }
0x239: {  	s2 =	sld [smem:$0x7E3]  }
0x23a: {  	[tilespmem:s7], [sflag:$0x2] =	stream.indirect.gather [hbm4b:s3+s5], $0x20, s18, s5, $0xb8;
	[tilespmem:$0x1D400] =	vst v63  }
0x23b: {  	s20 =	simm.s32 $0x1C400  }
0x23c: {  	[tilespmem:s20], [sflag:$0x2] =	stream.indirect.gather [hbm4b:s3+s5], $0x20, s2, s5, $0xb8;
	[tilespmem:$0x1D400] =	vst v63  }
0x23d: {  	_ =	swait.ge [sflag:s13], $0xD000  }
0x23e: {  	[sflag:s13] =	ssyncset.done $0x0  }
0x23f: {  	s8 =	simm.s32 $0x3;
	s15 =	rddreg [dreg:$0x8];
	[sflag:s13] =	ssyncadd.s32 $0xFFFF3000  }
0x240: {  	[hbm4b:s15+s17] =	stream.linear.scatter [tilespmem:s16], [sflag:$0x3], $0xD000, $0x38;
	[tilespmem:$0x1D400] =	vst v63  }
0x241: {  	_ =	swait.ge [sflag:s8], $0xD000  }
0x242: {  	s2 =	sld [smem:$0x7E4]  }
0x243: {  	[sflag:s8] =	ssyncset.done $0x0  }
0x244: {  	s15 =	sld [smem:$0x7E5];
	[sflag:s8] =	ssyncadd.s32 $0xFFFF3000  }
0x245: {  	[tilespmem:s16], [sflag:$0x1] =	stream.indirect.gather [hbm4b:s3+s5], $0x20, s2, s5, $0xb8;
	[tilespmem:$0x1D400] =	vst v63  }
0x246: {  	s14 =	sld [smem:$0x7E6];
	s2 =	simm.s32 $0x4400  }
0x247: {  	[tilespmem:s2], [sflag:$0x1] =	stream.indirect.gather [hbm4b:s3+s5], $0x20, s15, s5, $0xb8;
	[tilespmem:$0x1D400] =	vst v63  }
0x248: {  	s15 =	sld [smem:$0x7E7];
	s2 =	simm.s32 $0x5400  }
0x249: {  	[tilespmem:s2], [sflag:$0x1] =	stream.indirect.gather [hbm4b:s3+s5], $0x20, s14, s5, $0xb8;
	[tilespmem:$0x1D400] =	vst v63  }
0x24a: {  	s14 =	sld [smem:$0x7E8];
	s2 =	simm.s32 $0x6400  }
0x24b: {  	[tilespmem:s2], [sflag:$0x1] =	stream.indirect.gather [hbm4b:s3+s5], $0x20, s15, s5, $0xb8;
	[tilespmem:$0x1D400] =	vst v63  }
0x24c: {  	s26 =	simm.s32 $0x7400;
	s2 =	sld [smem:$0x7E9]  }
0x24d: {  	[tilespmem:s26], [sflag:$0x1] =	stream.indirect.gather [hbm4b:s3+s5], $0x20, s14, s5, $0xb8;
	[tilespmem:$0x1D400] =	vst v63  }
0x24e: {  	s14 =	sld [smem:$0x7EA];
	s26 =	simm.s32 $0x8400  }
0x24f: {  	[tilespmem:s26], [sflag:$0x1] =	stream.indirect.gather [hbm4b:s3+s5], $0x20, s2, s5, $0xb8;
	[tilespmem:$0x1D400] =	vst v63  }
0x250: {  	s15 =	sld [smem:$0x7EB];
	s26 =	simm.s32 $0x9400  }
0x251: {  	[tilespmem:s26], [sflag:$0x1] =	stream.indirect.gather [hbm4b:s3+s5], $0x20, s14, s5, $0xb8;
	[tilespmem:$0x1D400] =	vst v63  }
0x252: {  	s28 =	simm.s32 $0xA400;
	s26 =	sld [smem:$0x7EC]  }
0x253: {  	[tilespmem:s28], [sflag:$0x1] =	stream.indirect.gather [hbm4b:s3+s5], $0x20, s15, s5, $0xb8;
	[tilespmem:$0x1D400] =	vst v63  }
0x254: {  	s29 =	simm.s32 $0xB400;
	s28 =	sld [smem:$0x7ED]  }
0x255: {  	[tilespmem:s29], [sflag:$0x1] =	stream.indirect.gather [hbm4b:s3+s5], $0x20, s26, s5, $0xb8;
	[tilespmem:$0x1D400] =	vst v63  }
0x256: {  	s25 =	simm.s32 $0xC400;
	s2 =	sld [smem:$0x7EE]  }
0x257: {  	[tilespmem:s25], [sflag:$0x1] =	stream.indirect.gather [hbm4b:s3+s5], $0x20, s28, s5, $0xb8;
	[tilespmem:$0x1D400] =	vst v63  }
0x258: {  	s26 =	simm.s32 $0xD400;
	s25 =	sld [smem:$0x7EF]  }
0x259: {  	[tilespmem:s26], [sflag:$0x1] =	stream.indirect.gather [hbm4b:s3+s5], $0x20, s2, s5, $0xb8;
	[tilespmem:$0x1D400] =	vst v63  }
0x25a: {  	s19 =	simm.s32 $0xE400;
	s28 =	sld [smem:$0x7F0]  }
0x25b: {  	[tilespmem:s19], [sflag:$0x1] =	stream.indirect.gather [hbm4b:s3+s5], $0x20, s25, s5, $0xb8;
	[tilespmem:$0x1D400] =	vst v63  }
0x25c: {  	s29 =	simm.s32 $0xF400  }
0x25d: {  	[tilespmem:s29], [sflag:$0x1] =	stream.indirect.gather [hbm4b:s3+s5], $0x20, s28, s5, $0xb8;
	[tilespmem:$0x1D400] =	vst v63  }
0x25e: {  	_ =	swait.ge [sflag:s9], $0xD000  }
0x25f: {  	s7 =	simm.s32 $0x4;
	[sflag:s9] =	ssyncset.done $0x0  }
0x260: {  	s2 =	simm.s32 $0x0;
	s15 =	rddreg [dreg:$0x9];
	[sflag:s9] =	ssyncadd.s32 $0xFFFF3000  }
0x261: {  	[hbm4b:s15+s2] =	stream.linear.scatter [tilespmem:s31], [sflag:$0x4], $0xD000, $0x38;
	[tilespmem:$0x1D400] =	vst v63  }
0x262: {  	_ =	swait.ge [sflag:s7], $0xD000  }
0x263: {  	s19 =	sld [smem:$0x7F1]  }
0x264: {  	[sflag:s7] =	ssyncset.done $0x0  }
0x265: {  	s25 =	sld [smem:$0x7F2];
	[sflag:s7] =	ssyncadd.s32 $0xFFFF3000  }
0x266: {  	[tilespmem:s31], [sflag:$0x2] =	stream.indirect.gather [hbm4b:s3+s5], $0x20, s19, s5, $0xb8;
	[tilespmem:$0x1D400] =	vst v63  }
0x267: {  	s24 =	simm.s32 $0x11400;
	s26 =	sld [smem:$0x7F3]  }
0x268: {  	[tilespmem:s24], [sflag:$0x2] =	stream.indirect.gather [hbm4b:s3+s5], $0x20, s25, s5, $0xb8;
	[tilespmem:$0x1D400] =	vst v63  }
0x269: {  	s0 =	simm.s32 $0x12400;
	s28 =	sld [smem:$0x7F4]  }
0x26a: {  	[tilespmem:s0], [sflag:$0x2] =	stream.indirect.gather [hbm4b:s3+s5], $0x20, s26, s5, $0xb8;
	[tilespmem:$0x1D400] =	vst v63  }
0x26b: {  	s21 =	simm.s32 $0x13400;
	s29 =	sld [smem:$0x7F5]  }
0x26c: {  	[tilespmem:s21], [sflag:$0x2] =	stream.indirect.gather [hbm4b:s3+s5], $0x20, s28, s5, $0xb8;
	[tilespmem:$0x1D400] =	vst v63  }
0x26d: {  	s11 =	simm.s32 $0x14400;
	s0 =	sld [smem:$0x7F6]  }
0x26e: {  	[tilespmem:s11], [sflag:$0x2] =	stream.indirect.gather [hbm4b:s3+s5], $0x20, s29, s5, $0xb8;
	[tilespmem:$0x1D400] =	vst v63  }
0x26f: {  	s10 =	simm.s32 $0x15400;
	s11 =	sld [smem:$0x7F7]  }
0x270: {  	[tilespmem:s10], [sflag:$0x2] =	stream.indirect.gather [hbm4b:s3+s5], $0x20, s0, s5, $0xb8;
	[tilespmem:$0x1D400] =	vst v63  }
0x271: {  	s23 =	simm.s32 $0x16400;
	s19 =	sld [smem:$0x7F8]  }
0x272: {  	[tilespmem:s23], [sflag:$0x2] =	stream.indirect.gather [hbm4b:s3+s5], $0x20, s11, s5, $0xb8;
	[tilespmem:$0x1D400] =	vst v63  }
0x273: {  	s22 =	simm.s32 $0x17400;
	s21 =	sld [smem:$0x7F9]  }
0x274: {  	[tilespmem:s22], [sflag:$0x2] =	stream.indirect.gather [hbm4b:s3+s5], $0x20, s19, s5, $0xb8;
	[tilespmem:$0x1D400] =	vst v63  }
0x275: {  	s4 =	simm.s32 $0x18400;
	s23 =	sld [smem:$0x7FA]  }
0x276: {  	[tilespmem:s4], [sflag:$0x2] =	stream.indirect.gather [hbm4b:s3+s5], $0x20, s21, s5, $0xb8;
	[tilespmem:$0x1D400] =	vst v63  }
0x277: {  	s6 =	simm.s32 $0x19400;
	s24 =	sld [smem:$0x7FB]  }
0x278: {  	[tilespmem:s6], [sflag:$0x2] =	stream.indirect.gather [hbm4b:s3+s5], $0x20, s23, s5, $0xb8;
	[tilespmem:$0x1D400] =	vst v63  }
0x279: {  	s1 =	simm.s32 $0x1A400;
	s25 =	sld [smem:$0x7FC]  }
0x27a: {  	[tilespmem:s1], [sflag:$0x2] =	stream.indirect.gather [hbm4b:s3+s5], $0x20, s24, s5, $0xb8;
	[tilespmem:$0x1D400] =	vst v63  }
0x27b: {  	s18 =	simm.s32 $0x1B400;
	s26 =	sld [smem:$0x7FD]  }
0x27c: {  	[tilespmem:s18], [sflag:$0x2] =	stream.indirect.gather [hbm4b:s3+s5], $0x20, s25, s5, $0xb8;
	[tilespmem:$0x1D400] =	vst v63  }
0x27d: {  	s20 =	simm.s32 $0x1C400  }
0x27e: {  	[tilespmem:s20], [sflag:$0x2] =	stream.indirect.gather [hbm4b:s3+s5], $0x20, s26, s5, $0xb8;
	[tilespmem:$0x1D400] =	vst v63  }
0x27f: {  	_ =	swait.ge [sflag:s13], $0xD000  }
0x280: {  	[sflag:s13] =	ssyncset.done $0x0  }
0x281: {  	s30 =	simm.s32 $0x3400;
	s28 =	rddreg [dreg:$0xa];
	[sflag:s13] =	ssyncadd.s32 $0xFFFF3000  }
0x282: {  	[hbm4b:s28+s2] =	stream.linear.scatter [tilespmem:s30], [sflag:$0x3], $0xD000, $0x38;
	[tilespmem:$0x1D400] =	vst v63  }
0x283: {  	_ =	swait.ge [sflag:s9], $0xD000  }
0x284: {  	p1 =	sne.s32 s12, $0x1;
	[sflag:s9] =	ssyncset.done $0x0  }
0x285: {  	s4 =	simm.s32 $0x10400;
	s29 =	rddreg [dreg:$0xb];
	[sflag:s9] =	ssyncadd.s32 $0xFFFF3000  }
0x286: {  	[hbm4b:s29+s2] =	stream.linear.scatter [tilespmem:s4], [sflag:$0x4], $0xD000, $0x38;
	[tilespmem:$0x1D400] =	vst v63  }
.Ltmp2:
0x287: {  	_ =	swait.ge [sflag:s8], $0xD000;
	(pc) =	sbr.rel @p1 .LBB2_3-.Ltmp2, $4  }
0x288: {  	[sflag:s8] =	ssyncset.done $0x0  }
0x289: {  	[sflag:s8] =	ssyncadd.s32 $0xFFFF3000  }
0x28a: {  	_ =	swait.ge [sflag:s7], $0xD000  }
0x28b: {  	s12 =	sadd.s32 $0xFFFFFFFF, s12;
	s14 =	rddreg [dreg:$0x3];
	[sflag:s7] =	ssyncset.done $0x0  }
0x28c: {  	s15 =	simm.s32 $0xC400;
	s31 =	simm.s32 $0x14400;
	s0 =	simm.s32 $0x15400  }
0x28d: {  	s10 =	simm.s32 $0x18400;
	s11 =	simm.s32 $0xD400;
	s16 =	simm.s32 $0x5  }
.LBB2_5:
0x28e: {  	[sflag:s7] =	ssyncadd.s32 @p0 $0xFFFF3000  }
0x28f: {  	[tilespmem:s2], [sflag:$0x5] =	stream.linear.gather [hbm4b:s14+s2], $0x3400, $0x38;
	[tilespmem:$0x1D400] =	vst v63  }
0x290: {  	_ =	swait.ge [sflag:s16], $0x3400  }
0x291: {  	[sflag:s16] =	ssyncset.done $0x0  }
0x292: {  	[sflag:s16] =	ssyncadd.s32 $0xFFFFCC00  }
0x293: {  	[tilespmem:s30], [sflag:$0x1] =	stream.indirect.gather [hbm4b:s3+s5], $0x20, s2, s5, $0xb8;
	[tilespmem:$0x1D400] =	vst v63  }
0x294: {  	s22 =	simm.s32 $0x4400;
	s12 =	rddreg [dreg:$0xc]  }
0x295: {  	[tilespmem:s22], [sflag:$0x1] =	stream.indirect.gather [hbm4b:s3+s5], $0x20, s5, s5, $0xb8;
	[tilespmem:$0x1D400] =	vst v63  }
0x296: {  	s24 =	simm.s32 $0x5400;
	s29 =	rddreg [dreg:$0xd]  }
0x297: {  	[tilespmem:s24], [sflag:$0x1] =	stream.indirect.gather [hbm4b:s3+s5], $0x20, s12, s5, $0xb8;
	[tilespmem:$0x1D400] =	vst v63  }
0x298: {  	s18 =	simm.s32 $0x6400;
	s1 =	rddreg [dreg:$0xf]  }
0x299: {  	[tilespmem:s18], [sflag:$0x1] =	stream.indirect.gather [hbm4b:s3+s5], $0x20, s29, s5, $0xb8;
	[tilespmem:$0x1D400] =	vst v63  }
0x29a: {  	s19 =	simm.s32 $0x7400;
	s30 =	rddreg [dreg:$0xe]  }
0x29b: {  	[tilespmem:s19], [sflag:$0x1] =	stream.indirect.gather [hbm4b:s3+s5], $0x20, s30, s5, $0xb8;
	[tilespmem:$0x1D400] =	vst v63  }
0x29c: {  	s20 =	simm.s32 $0x8400;
	s6 =	rddreg [dreg:$0x10]  }
0x29d: {  	[tilespmem:s20], [sflag:$0x1] =	stream.indirect.gather [hbm4b:s3+s5], $0x20, s1, s5, $0xb8;
	[tilespmem:$0x1D400] =	vst v63  }
0x29e: {  	s21 =	simm.s32 $0x9400;
	s17 =	rddreg [dreg:$0x12]  }
0x29f: {  	[tilespmem:s21], [sflag:$0x1] =	stream.indirect.gather [hbm4b:s3+s5], $0x20, s6, s5, $0xb8;
	[tilespmem:$0x1D400] =	vst v63  }
0x2a0: {  	s25 =	simm.s32 $0xA400;
	s16 =	rddreg [dreg:$0x11]  }
0x2a1: {  	[tilespmem:s25], [sflag:$0x1] =	stream.indirect.gather [hbm4b:s3+s5], $0x20, s16, s5, $0xb8;
	[tilespmem:$0x1D400] =	vst v63  }
0x2a2: {  	s23 =	rddreg [dreg:$0x13];
	s29 =	simm.s32 $0xB400  }
0x2a3: {  	[tilespmem:s29], [sflag:$0x1] =	stream.indirect.gather [hbm4b:s3+s5], $0x20, s17, s5, $0xb8;
	[tilespmem:$0x1D400] =	vst v63  }
0x2a4: {  	s26 =	rddreg [dreg:$0x14]  }
0x2a5: {  	[tilespmem:s15], [sflag:$0x1] =	stream.indirect.gather [hbm4b:s3+s5], $0x20, s23, s5, $0xb8;
	[tilespmem:$0x1D400] =	vst v63  }
0x2a6: {  	s28 =	rddreg [dreg:$0x15]  }
0x2a7: {  	[tilespmem:s11], [sflag:$0x1] =	stream.indirect.gather [hbm4b:s3+s5], $0x20, s26, s5, $0xb8;
	[tilespmem:$0x1D400] =	vst v63  }
0x2a8: {  	s30 =	rddreg [dreg:$0x16];
	s17 =	simm.s32 $0xE400  }
0x2a9: {  	[tilespmem:s17], [sflag:$0x1] =	stream.indirect.gather [hbm4b:s3+s5], $0x20, s28, s5, $0xb8;
	[tilespmem:$0x1D400] =	vst v63  }
0x2aa: {  	s1 =	rddreg [dreg:$0x17];
	s16 =	simm.s32 $0xF400  }
0x2ab: {  	[tilespmem:s16], [sflag:$0x1] =	stream.indirect.gather [hbm4b:s3+s5], $0x20, s30, s5, $0xb8;
	[tilespmem:$0x1D400] =	vst v63  }
0x2ac: {  	s6 =	rddreg [dreg:$0x18]  }
0x2ad: {  	[tilespmem:s4], [sflag:$0x2] =	stream.indirect.gather [hbm4b:s3+s5], $0x20, s1, s5, $0xb8;
	[tilespmem:$0x1D400] =	vst v63  }
0x2ae: {  	s15 =	rddreg [dreg:$0x19];
	s1 =	simm.s32 $0x11400  }
0x2af: {  	[tilespmem:s1], [sflag:$0x2] =	stream.indirect.gather [hbm4b:s3+s5], $0x20, s6, s5, $0xb8;
	[tilespmem:$0x1D400] =	vst v63  }
0x2b0: {  	s23 =	rddreg [dreg:$0x1a];
	s26 =	simm.s32 $0x12400  }
0x2b1: {  	[tilespmem:s26], [sflag:$0x2] =	stream.indirect.gather [hbm4b:s3+s5], $0x20, s15, s5, $0xb8;
	[tilespmem:$0x1D400] =	vst v63  }
0x2b2: {  	s28 =	rddreg [dreg:$0x1b];
	s30 =	simm.s32 $0x13400  }
0x2b3: {  	[tilespmem:s30], [sflag:$0x2] =	stream.indirect.gather [hbm4b:s3+s5], $0x20, s23, s5, $0xb8;
	[tilespmem:$0x1D400] =	vst v63  }
0x2b4: {  	s4 =	rddreg [dreg:$0x1d]  }
0x2b5: {  	[tilespmem:s31], [sflag:$0x2] =	stream.indirect.gather [hbm4b:s3+s5], $0x20, s28, s5, $0xb8;
	[tilespmem:$0x1D400] =	vst v63  }
0x2b6: {  	s1 =	rddreg [dreg:$0x1c]  }
0x2b7: {  	[tilespmem:s0], [sflag:$0x2] =	stream.indirect.gather [hbm4b:s3+s5], $0x20, s1, s5, $0xb8;
	[tilespmem:$0x1D400] =	vst v63  }
0x2b8: {  	s23 =	simm.s32 $0x16400;
	s28 =	rddreg [dreg:$0x1e]  }
0x2b9: {  	[tilespmem:s23], [sflag:$0x2] =	stream.indirect.gather [hbm4b:s3+s5], $0x20, s4, s5, $0xb8;
	[tilespmem:$0x1D400] =	vst v63  }
0x2ba: {  	s1 =	rddreg [dreg:$0x1f];
	s4 =	simm.s32 $0x17400  }
0x2bb: {  	[tilespmem:s4], [sflag:$0x2] =	stream.indirect.gather [hbm4b:s3+s5], $0x20, s28, s5, $0xb8;
	[tilespmem:$0x1D400] =	vst v63  }
0x2bc: {  	s23 =	sld [smem:$0x7AC]  }
0x2bd: {  	[tilespmem:s10], [sflag:$0x2] =	stream.indirect.gather [hbm4b:s3+s5], $0x20, s1, s5, $0xb8;
	[tilespmem:$0x1D400] =	vst v63  }
0x2be: {  	s14 =	sld [smem:$0x7AD];
	s28 =	simm.s32 $0x19400  }
0x2bf: {  	[tilespmem:s28], [sflag:$0x2] =	stream.indirect.gather [hbm4b:s3+s5], $0x20, s23, s5, $0xb8;
	[tilespmem:$0x1D400] =	vst v63  }
0x2c0: {  	s4 =	sld [smem:$0x7AE];
	s28 =	simm.s32 $0x1A400  }
0x2c1: {  	[tilespmem:s28], [sflag:$0x2] =	stream.indirect.gather [hbm4b:s3+s5], $0x20, s14, s5, $0xb8;
	[tilespmem:$0x1D400] =	vst v63  }
0x2c2: {  	s23 =	simm.s32 $0x1B400;
	s14 =	sld [smem:$0x7AF]  }
0x2c3: {  	[tilespmem:s23], [sflag:$0x2] =	stream.indirect.gather [hbm4b:s3+s5], $0x20, s4, s5, $0xb8;
	[tilespmem:$0x1D400] =	vst v63  }
0x2c4: {  	s23 =	simm.s32 $0x1C400  }
0x2c5: {  	[tilespmem:s23], [sflag:$0x2] =	stream.indirect.gather [hbm4b:s3+s5], $0x20, s14, s5, $0xb8;
	[tilespmem:$0x1D400] =	vst v63  }
0x2c6: {  	_ =	swait.ge [sflag:s13], $0xD000  }
0x2c7: {  	[sflag:s13] =	ssyncset.done $0x0  }
0x2c8: {  	s6 =	simm.s32 $0x3400;
	s4 =	rddreg [dreg:$0x4];
	[sflag:s13] =	ssyncadd.s32 $0xFFFF3000  }
0x2c9: {  	[hbm4b:s4+s2] =	stream.linear.scatter [tilespmem:s6], [sflag:$0x3], $0xD000, $0x38;
	[tilespmem:$0x1D400] =	vst v63  }
0x2ca: {  	_ =	swait.ge [sflag:s8], $0xD000  }
0x2cb: {  	s14 =	sld [smem:$0x7B0]  }
0x2cc: {  	[sflag:s8] =	ssyncset.done $0x0  }
0x2cd: {  	s23 =	sld [smem:$0x7B1];
	[sflag:s8] =	ssyncadd.s32 $0xFFFF3000  }
0x2ce: {  	[tilespmem:s6], [sflag:$0x1] =	stream.indirect.gather [hbm4b:s3+s5], $0x20, s14, s5, $0xb8;
	[tilespmem:$0x1D400] =	vst v63  }
0x2cf: {  	s4 =	sld [smem:$0x7B2]  }
0x2d0: {  	[tilespmem:s22], [sflag:$0x1] =	stream.indirect.gather [hbm4b:s3+s5], $0x20, s23, s5, $0xb8;
	[tilespmem:$0x1D400] =	vst v63  }
0x2d1: {  	s23 =	sld [smem:$0x7B3]  }
0x2d2: {  	[tilespmem:s24], [sflag:$0x1] =	stream.indirect.gather [hbm4b:s3+s5], $0x20, s4, s5, $0xb8;
	[tilespmem:$0x1D400] =	vst v63  }
0x2d3: {  	s4 =	sld [smem:$0x7B4]  }
0x2d4: {  	[tilespmem:s18], [sflag:$0x1] =	stream.indirect.gather [hbm4b:s3+s5], $0x20, s23, s5, $0xb8;
	[tilespmem:$0x1D400] =	vst v63  }
0x2d5: {  	s23 =	sld [smem:$0x7B5]  }
0x2d6: {  	[tilespmem:s19], [sflag:$0x1] =	stream.indirect.gather [hbm4b:s3+s5], $0x20, s4, s5, $0xb8;
	[tilespmem:$0x1D400] =	vst v63  }
0x2d7: {  	s4 =	sld [smem:$0x7B6]  }
0x2d8: {  	[tilespmem:s20], [sflag:$0x1] =	stream.indirect.gather [hbm4b:s3+s5], $0x20, s23, s5, $0xb8;
	[tilespmem:$0x1D400] =	vst v63  }
0x2d9: {  	s23 =	sld [smem:$0x7B7]  }
0x2da: {  	[tilespmem:s21], [sflag:$0x1] =	stream.indirect.gather [hbm4b:s3+s5], $0x20, s4, s5, $0xb8;
	[tilespmem:$0x1D400] =	vst v63  }
0x2db: {  	s4 =	sld [smem:$0x7B8]  }
0x2dc: {  	[tilespmem:s25], [sflag:$0x1] =	stream.indirect.gather [hbm4b:s3+s5], $0x20, s23, s5, $0xb8;
	[tilespmem:$0x1D400] =	vst v63  }
0x2dd: {  	s23 =	sld [smem:$0x7B9]  }
0x2de: {  	[tilespmem:s29], [sflag:$0x1] =	stream.indirect.gather [hbm4b:s3+s5], $0x20, s4, s5, $0xb8;
	[tilespmem:$0x1D400] =	vst v63  }
0x2df: {  	s1 =	simm.s32 $0xC400;
	s4 =	sld [smem:$0x7BA]  }
0x2e0: {  	[tilespmem:s1], [sflag:$0x1] =	stream.indirect.gather [hbm4b:s3+s5], $0x20, s23, s5, $0xb8;
	[tilespmem:$0x1D400] =	vst v63  }
0x2e1: {  	s23 =	sld [smem:$0x7BB]  }
0x2e2: {  	[tilespmem:s11], [sflag:$0x1] =	stream.indirect.gather [hbm4b:s3+s5], $0x20, s4, s5, $0xb8;
	[tilespmem:$0x1D400] =	vst v63  }
0x2e3: {  	s1 =	sld [smem:$0x7BC]  }
0x2e4: {  	[tilespmem:s17], [sflag:$0x1] =	stream.indirect.gather [hbm4b:s3+s5], $0x20, s23, s5, $0xb8;
	[tilespmem:$0x1D400] =	vst v63  }
0x2e5: {  	_ = 	snop  }
0x2e6: {  	[tilespmem:s16], [sflag:$0x1] =	stream.indirect.gather [hbm4b:s3+s5], $0x20, s1, s5, $0xb8;
	[tilespmem:$0x1D400] =	vst v63  }
0x2e7: {  	_ =	swait.ge [sflag:s9], $0xD000  }
0x2e8: {  	[sflag:s9] =	ssyncset.done $0x0  }
0x2e9: {  	s15 =	simm.s32 $0x10400;
	s4 =	rddreg [dreg:$0x5];
	[sflag:s9] =	ssyncadd.s32 $0xFFFF3000  }
0x2ea: {  	[hbm4b:s4+s2] =	stream.linear.scatter [tilespmem:s15], [sflag:$0x4], $0xD000, $0x38;
	[tilespmem:$0x1D400] =	vst v63  }
0x2eb: {  	_ =	swait.ge [sflag:s7], $0xD000  }
0x2ec: {  	s14 =	sld [smem:$0x7BD]  }
0x2ed: {  	[sflag:s7] =	ssyncset.done $0x0  }
0x2ee: {  	s23 =	sld [smem:$0x7BE];
	[sflag:s7] =	ssyncadd.s32 $0xFFFF3000  }
0x2ef: {  	[tilespmem:s15], [sflag:$0x2] =	stream.indirect.gather [hbm4b:s3+s5], $0x20, s14, s5, $0xb8;
	[tilespmem:$0x1D400] =	vst v63  }
0x2f0: {  	s4 =	simm.s32 $0x11400;
	s1 =	sld [smem:$0x7BF]  }
0x2f1: {  	[tilespmem:s4], [sflag:$0x2] =	stream.indirect.gather [hbm4b:s3+s5], $0x20, s23, s5, $0xb8;
	[tilespmem:$0x1D400] =	vst v63  }
0x2f2: {  	s23 =	sld [smem:$0x7C0]  }
0x2f3: {  	[tilespmem:s26], [sflag:$0x2] =	stream.indirect.gather [hbm4b:s3+s5], $0x20, s1, s5, $0xb8;
	[tilespmem:$0x1D400] =	vst v63  }
0x2f4: {  	s1 =	sld [smem:$0x7C1]  }
0x2f5: {  	[tilespmem:s30], [sflag:$0x2] =	stream.indirect.gather [hbm4b:s3+s5], $0x20, s23, s5, $0xb8;
	[tilespmem:$0x1D400] =	vst v63  }
0x2f6: {  	s23 =	sld [smem:$0x7C2]  }
0x2f7: {  	[tilespmem:s31], [sflag:$0x2] =	stream.indirect.gather [hbm4b:s3+s5], $0x20, s1, s5, $0xb8;
	[tilespmem:$0x1D400] =	vst v63  }
0x2f8: {  	s1 =	sld [smem:$0x7C3]  }
0x2f9: {  	[tilespmem:s0], [sflag:$0x2] =	stream.indirect.gather [hbm4b:s3+s5], $0x20, s23, s5, $0xb8;
	[tilespmem:$0x1D400] =	vst v63  }
0x2fa: {  	s14 =	sld [smem:$0x7C4];
	s23 =	simm.s32 $0x16400  }
0x2fb: {  	[tilespmem:s23], [sflag:$0x2] =	stream.indirect.gather [hbm4b:s3+s5], $0x20, s1, s5, $0xb8;
	[tilespmem:$0x1D400] =	vst v63  }
0x2fc: {  	s23 =	sld [smem:$0x7C5];
	s1 =	simm.s32 $0x17400  }
0x2fd: {  	[tilespmem:s1], [sflag:$0x2] =	stream.indirect.gather [hbm4b:s3+s5], $0x20, s14, s5, $0xb8;
	[tilespmem:$0x1D400] =	vst v63  }
0x2fe: {  	s14 =	sld [smem:$0x7C6]  }
0x2ff: {  	[tilespmem:s10], [sflag:$0x2] =	stream.indirect.gather [hbm4b:s3+s5], $0x20, s23, s5, $0xb8;
	[tilespmem:$0x1D400] =	vst v63  }
0x300: {  	s12 =	sld [smem:$0x7C7];
	s23 =	simm.s32 $0x19400  }
0x301: {  	[tilespmem:s23], [sflag:$0x2] =	stream.indirect.gather [hbm4b:s3+s5], $0x20, s14, s5, $0xb8;
	[tilespmem:$0x1D400] =	vst v63  }
0x302: {  	s14 =	sld [smem:$0x7C8]  }
0x303: {  	[tilespmem:s28], [sflag:$0x2] =	stream.indirect.gather [hbm4b:s3+s5], $0x20, s12, s5, $0xb8;
	[tilespmem:$0x1D400] =	vst v63  }
0x304: {  	s23 =	simm.s32 $0x1B400;
	s12 =	sld [smem:$0x7C9]  }
0x305: {  	[tilespmem:s23], [sflag:$0x2] =	stream.indirect.gather [hbm4b:s3+s5], $0x20, s14, s5, $0xb8;
	[tilespmem:$0x1D400] =	vst v63  }
0x306: {  	s23 =	simm.s32 $0x1C400  }
0x307: {  	[tilespmem:s23], [sflag:$0x2] =	stream.indirect.gather [hbm4b:s3+s5], $0x20, s12, s5, $0xb8;
	[tilespmem:$0x1D400] =	vst v63  }
0x308: {  	_ =	swait.ge [sflag:s13], $0xD000  }
0x309: {  	[sflag:s13] =	ssyncset.done $0x0  }
0x30a: {  	s14 =	rddreg [dreg:$0x6];
	[sflag:s13] =	ssyncadd.s32 $0xFFFF3000  }
0x30b: {  	[hbm4b:s14+s2] =	stream.linear.scatter [tilespmem:s6], [sflag:$0x3], $0xD000, $0x38;
	[tilespmem:$0x1D400] =	vst v63  }
0x30c: {  	_ =	swait.ge [sflag:s8], $0xD000  }
0x30d: {  	s23 =	sld [smem:$0x7CA]  }
0x30e: {  	[sflag:s8] =	ssyncset.done $0x0  }
0x30f: {  	s14 =	sld [smem:$0x7CB];
	[sflag:s8] =	ssyncadd.s32 $0xFFFF3000  }
0x310: {  	[tilespmem:s6], [sflag:$0x1] =	stream.indirect.gather [hbm4b:s3+s5], $0x20, s23, s5, $0xb8;
	[tilespmem:$0x1D400] =	vst v63  }
0x311: {  	s23 =	sld [smem:$0x7CC]  }
0x312: {  	[tilespmem:s22], [sflag:$0x1] =	stream.indirect.gather [hbm4b:s3+s5], $0x20, s14, s5, $0xb8;
	[tilespmem:$0x1D400] =	vst v63  }
0x313: {  	s14 =	sld [smem:$0x7CD]  }
0x314: {  	[tilespmem:s24], [sflag:$0x1] =	stream.indirect.gather [hbm4b:s3+s5], $0x20, s23, s5, $0xb8;
	[tilespmem:$0x1D400] =	vst v63  }
0x315: {  	s23 =	sld [smem:$0x7CE]  }
0x316: {  	[tilespmem:s18], [sflag:$0x1] =	stream.indirect.gather [hbm4b:s3+s5], $0x20, s14, s5, $0xb8;
	[tilespmem:$0x1D400] =	vst v63  }
0x317: {  	s14 =	sld [smem:$0x7CF]  }
0x318: {  	[tilespmem:s19], [sflag:$0x1] =	stream.indirect.gather [hbm4b:s3+s5], $0x20, s23, s5, $0xb8;
	[tilespmem:$0x1D400] =	vst v63  }
0x319: {  	s23 =	sld [smem:$0x7D0]  }
0x31a: {  	[tilespmem:s20], [sflag:$0x1] =	stream.indirect.gather [hbm4b:s3+s5], $0x20, s14, s5, $0xb8;
	[tilespmem:$0x1D400] =	vst v63  }
0x31b: {  	s14 =	sld [smem:$0x7D1]  }
0x31c: {  	[tilespmem:s21], [sflag:$0x1] =	stream.indirect.gather [hbm4b:s3+s5], $0x20, s23, s5, $0xb8;
	[tilespmem:$0x1D400] =	vst v63  }
0x31d: {  	s23 =	sld [smem:$0x7D2]  }
0x31e: {  	[tilespmem:s25], [sflag:$0x1] =	stream.indirect.gather [hbm4b:s3+s5], $0x20, s14, s5, $0xb8;
	[tilespmem:$0x1D400] =	vst v63  }
0x31f: {  	s14 =	sld [smem:$0x7D3]  }
0x320: {  	[tilespmem:s29], [sflag:$0x1] =	stream.indirect.gather [hbm4b:s3+s5], $0x20, s23, s5, $0xb8;
	[tilespmem:$0x1D400] =	vst v63  }
0x321: {  	s12 =	sld [smem:$0x7D4];
	s23 =	simm.s32 $0xC400  }
0x322: {  	[tilespmem:s23], [sflag:$0x1] =	stream.indirect.gather [hbm4b:s3+s5], $0x20, s14, s5, $0xb8;
	[tilespmem:$0x1D400] =	vst v63  }
0x323: {  	s14 =	sld [smem:$0x7D5]  }
0x324: {  	[tilespmem:s11], [sflag:$0x1] =	stream.indirect.gather [hbm4b:s3+s5], $0x20, s12, s5, $0xb8;
	[tilespmem:$0x1D400] =	vst v63  }
0x325: {  	s23 =	sld [smem:$0x7D6]  }
0x326: {  	[tilespmem:s17], [sflag:$0x1] =	stream.indirect.gather [hbm4b:s3+s5], $0x20, s14, s5, $0xb8;
	[tilespmem:$0x1D400] =	vst v63  }
0x327: {  	_ = 	snop  }
0x328: {  	[tilespmem:s16], [sflag:$0x1] =	stream.indirect.gather [hbm4b:s3+s5], $0x20, s23, s5, $0xb8;
	[tilespmem:$0x1D400] =	vst v63  }
0x329: {  	_ =	swait.ge [sflag:s9], $0xD000  }
0x32a: {  	[sflag:s9] =	ssyncset.done $0x0  }
0x32b: {  	s23 =	rddreg [dreg:$0x7];
	[sflag:s9] =	ssyncadd.s32 $0xFFFF3000  }
0x32c: {  	[hbm4b:s23+s2] =	stream.linear.scatter [tilespmem:s15], [sflag:$0x4], $0xD000, $0x38;
	[tilespmem:$0x1D400] =	vst v63  }
0x32d: {  	_ =	swait.ge [sflag:s7], $0xD000  }
0x32e: {  	s14 =	sld [smem:$0x7D7]  }
0x32f: {  	[sflag:s7] =	ssyncset.done $0x0  }
0x330: {  	s23 =	sld [smem:$0x7D8];
	[sflag:s7] =	ssyncadd.s32 $0xFFFF3000  }
0x331: {  	[tilespmem:s15], [sflag:$0x2] =	stream.indirect.gather [hbm4b:s3+s5], $0x20, s14, s5, $0xb8;
	[tilespmem:$0x1D400] =	vst v63  }
0x332: {  	s12 =	sld [smem:$0x7D9]  }
0x333: {  	[tilespmem:s4], [sflag:$0x2] =	stream.indirect.gather [hbm4b:s3+s5], $0x20, s23, s5, $0xb8;
	[tilespmem:$0x1D400] =	vst v63  }
0x334: {  	s23 =	sld [smem:$0x7DA]  }
0x335: {  	[tilespmem:s26], [sflag:$0x2] =	stream.indirect.gather [hbm4b:s3+s5], $0x20, s12, s5, $0xb8;
	[tilespmem:$0x1D400] =	vst v63  }
0x336: {  	s12 =	sld [smem:$0x7DB]  }
0x337: {  	[tilespmem:s30], [sflag:$0x2] =	stream.indirect.gather [hbm4b:s3+s5], $0x20, s23, s5, $0xb8;
	[tilespmem:$0x1D400] =	vst v63  }
0x338: {  	s23 =	sld [smem:$0x7DC]  }
0x339: {  	[tilespmem:s31], [sflag:$0x2] =	stream.indirect.gather [hbm4b:s3+s5], $0x20, s12, s5, $0xb8;
	[tilespmem:$0x1D400] =	vst v63  }
0x33a: {  	s12 =	sld [smem:$0x7DD]  }
0x33b: {  	[tilespmem:s0], [sflag:$0x2] =	stream.indirect.gather [hbm4b:s3+s5], $0x20, s23, s5, $0xb8;
	[tilespmem:$0x1D400] =	vst v63  }
0x33c: {  	s14 =	sld [smem:$0x7DE];
	s23 =	simm.s32 $0x16400  }
0x33d: {  	[tilespmem:s23], [sflag:$0x2] =	stream.indirect.gather [hbm4b:s3+s5], $0x20, s12, s5, $0xb8;
	[tilespmem:$0x1D400] =	vst v63  }
0x33e: {  	s23 =	sld [smem:$0x7DF]  }
0x33f: {  	[tilespmem:s1], [sflag:$0x2] =	stream.indirect.gather [hbm4b:s3+s5], $0x20, s14, s5, $0xb8;
	[tilespmem:$0x1D400] =	vst v63  }
0x340: {  	s0 =	sld [smem:$0x7E0]  }
0x341: {  	[tilespmem:s10], [sflag:$0x2] =	stream.indirect.gather [hbm4b:s3+s5], $0x20, s23, s5, $0xb8;
	[tilespmem:$0x1D400] =	vst v63  }
0x342: {  	s1 =	sld [smem:$0x7E1];
	s23 =	simm.s32 $0x19400  }
0x343: {  	[tilespmem:s23], [sflag:$0x2] =	stream.indirect.gather [hbm4b:s3+s5], $0x20, s0, s5, $0xb8;
	[tilespmem:$0x1D400] =	vst v63  }
0x344: {  	s0 =	sld [smem:$0x7E2]  }
0x345: {  	[tilespmem:s28], [sflag:$0x2] =	stream.indirect.gather [hbm4b:s3+s5], $0x20, s1, s5, $0xb8;
	[tilespmem:$0x1D400] =	vst v63  }
0x346: {  	s23 =	simm.s32 $0x1B400;
	s1 =	sld [smem:$0x7E3]  }
0x347: {  	[tilespmem:s23], [sflag:$0x2] =	stream.indirect.gather [hbm4b:s3+s5], $0x20, s0, s5, $0xb8;
	[tilespmem:$0x1D400] =	vst v63  }
0x348: {  	s14 =	simm.s32 $0x1C400  }
0x349: {  	[tilespmem:s14], [sflag:$0x2] =	stream.indirect.gather [hbm4b:s3+s5], $0x20, s1, s5, $0xb8;
	[tilespmem:$0x1D400] =	vst v63  }
0x34a: {  	_ =	swait.ge [sflag:s13], $0xD000  }
0x34b: {  	[sflag:s13] =	ssyncset.done $0x0  }
0x34c: {  	s1 =	rddreg [dreg:$0x8];
	[sflag:s13] =	ssyncadd.s32 $0xFFFF3000  }
0x34d: {  	[hbm4b:s1+s2] =	stream.linear.scatter [tilespmem:s6], [sflag:$0x3], $0xD000, $0x38;
	[tilespmem:$0x1D400] =	vst v63  }
0x34e: {  	_ =	swait.ge [sflag:s8], $0xD000  }
0x34f: {  	s14 =	sld [smem:$0x7E4]  }
0x350: {  	[sflag:s8] =	ssyncset.done $0x0  }
0x351: {  	s0 =	sld [smem:$0x7E5];
	[sflag:s8] =	ssyncadd.s32 $0xFFFF3000  }
0x352: {  	[tilespmem:s6], [sflag:$0x1] =	stream.indirect.gather [hbm4b:s3+s5], $0x20, s14, s5, $0xb8;
	[tilespmem:$0x1D400] =	vst v63  }
0x353: {  	s1 =	sld [smem:$0x7E6]  }
0x354: {  	[tilespmem:s22], [sflag:$0x1] =	stream.indirect.gather [hbm4b:s3+s5], $0x20, s0, s5, $0xb8;
	[tilespmem:$0x1D400] =	vst v63  }
0x355: {  	s0 =	sld [smem:$0x7E7]  }
0x356: {  	[tilespmem:s24], [sflag:$0x1] =	stream.indirect.gather [hbm4b:s3+s5], $0x20, s1, s5, $0xb8;
	[tilespmem:$0x1D400] =	vst v63  }
0x357: {  	s1 =	sld [smem:$0x7E8]  }
0x358: {  	[tilespmem:s18], [sflag:$0x1] =	stream.indirect.gather [hbm4b:s3+s5], $0x20, s0, s5, $0xb8;
	[tilespmem:$0x1D400] =	vst v63  }
0x359: {  	s18 =	sld [smem:$0x7E9]  }
0x35a: {  	[tilespmem:s19], [sflag:$0x1] =	stream.indirect.gather [hbm4b:s3+s5], $0x20, s1, s5, $0xb8;
	[tilespmem:$0x1D400] =	vst v63  }
0x35b: {  	s19 =	sld [smem:$0x7EA]  }
0x35c: {  	[tilespmem:s20], [sflag:$0x1] =	stream.indirect.gather [hbm4b:s3+s5], $0x20, s18, s5, $0xb8;
	[tilespmem:$0x1D400] =	vst v63  }
0x35d: {  	s22 =	sld [smem:$0x7EB]  }
0x35e: {  	[tilespmem:s21], [sflag:$0x1] =	stream.indirect.gather [hbm4b:s3+s5], $0x20, s19, s5, $0xb8;
	[tilespmem:$0x1D400] =	vst v63  }
0x35f: {  	s24 =	sld [smem:$0x7EC]  }
0x360: {  	[tilespmem:s25], [sflag:$0x1] =	stream.indirect.gather [hbm4b:s3+s5], $0x20, s22, s5, $0xb8;
	[tilespmem:$0x1D400] =	vst v63  }
0x361: {  	s0 =	sld [smem:$0x7ED]  }
0x362: {  	[tilespmem:s29], [sflag:$0x1] =	stream.indirect.gather [hbm4b:s3+s5], $0x20, s24, s5, $0xb8;
	[tilespmem:$0x1D400] =	vst v63  }
0x363: {  	s1 =	sld [smem:$0x7EE];
	s18 =	simm.s32 $0xC400  }
0x364: {  	[tilespmem:s18], [sflag:$0x1] =	stream.indirect.gather [hbm4b:s3+s5], $0x20, s0, s5, $0xb8;
	[tilespmem:$0x1D400] =	vst v63  }
0x365: {  	s19 =	sld [smem:$0x7EF]  }
0x366: {  	[tilespmem:s11], [sflag:$0x1] =	stream.indirect.gather [hbm4b:s3+s5], $0x20, s1, s5, $0xb8;
	[tilespmem:$0x1D400] =	vst v63  }
0x367: {  	s20 =	sld [smem:$0x7F0]  }
0x368: {  	[tilespmem:s17], [sflag:$0x1] =	stream.indirect.gather [hbm4b:s3+s5], $0x20, s19, s5, $0xb8;
	[tilespmem:$0x1D400] =	vst v63  }
0x369: {  	_ = 	snop  }
0x36a: {  	[tilespmem:s16], [sflag:$0x1] =	stream.indirect.gather [hbm4b:s3+s5], $0x20, s20, s5, $0xb8;
	[tilespmem:$0x1D400] =	vst v63  }
0x36b: {  	_ =	swait.ge [sflag:s9], $0xD000  }
0x36c: {  	[sflag:s9] =	ssyncset.done $0x0  }
0x36d: {  	s22 =	rddreg [dreg:$0x9];
	[sflag:s9] =	ssyncadd.s32 $0xFFFF3000  }
0x36e: {  	[hbm4b:s22+s2] =	stream.linear.scatter [tilespmem:s15], [sflag:$0x4], $0xD000, $0x38;
	[tilespmem:$0x1D400] =	vst v63  }
0x36f: {  	_ =	swait.ge [sflag:s7], $0xD000  }
0x370: {  	s24 =	sld [smem:$0x7F1]  }
0x371: {  	[sflag:s7] =	ssyncset.done $0x0  }
0x372: {  	s25 =	sld [smem:$0x7F2];
	[sflag:s7] =	ssyncadd.s32 $0xFFFF3000  }
0x373: {  	[tilespmem:s15], [sflag:$0x2] =	stream.indirect.gather [hbm4b:s3+s5], $0x20, s24, s5, $0xb8;
	[tilespmem:$0x1D400] =	vst v63  }
0x374: {  	s4 =	simm.s32 $0x11400;
	s29 =	sld [smem:$0x7F3]  }
0x375: {  	[tilespmem:s4], [sflag:$0x2] =	stream.indirect.gather [hbm4b:s3+s5], $0x20, s25, s5, $0xb8;
	[tilespmem:$0x1D400] =	vst v63  }
0x376: {  	s4 =	sld [smem:$0x7F4]  }
0x377: {  	[tilespmem:s26], [sflag:$0x2] =	stream.indirect.gather [hbm4b:s3+s5], $0x20, s29, s5, $0xb8;
	[tilespmem:$0x1D400] =	vst v63  }
0x378: {  	s12 =	sld [smem:$0x7F5]  }
0x379: {  	[tilespmem:s30], [sflag:$0x2] =	stream.indirect.gather [hbm4b:s3+s5], $0x20, s4, s5, $0xb8;
	[tilespmem:$0x1D400] =	vst v63  }
0x37a: {  	s14 =	sld [smem:$0x7F6]  }
0x37b: {  	[tilespmem:s31], [sflag:$0x2] =	stream.indirect.gather [hbm4b:s3+s5], $0x20, s12, s5, $0xb8;
	[tilespmem:$0x1D400] =	vst v63  }
0x37c: {  	s21 =	simm.s32 $0x15400;
	s16 =	sld [smem:$0x7F7]  }
0x37d: {  	[tilespmem:s21], [sflag:$0x2] =	stream.indirect.gather [hbm4b:s3+s5], $0x20, s14, s5, $0xb8;
	[tilespmem:$0x1D400] =	vst v63  }
0x37e: {  	s18 =	simm.s32 $0x16400;
	s17 =	sld [smem:$0x7F8]  }
0x37f: {  	[tilespmem:s18], [sflag:$0x2] =	stream.indirect.gather [hbm4b:s3+s5], $0x20, s16, s5, $0xb8;
	[tilespmem:$0x1D400] =	vst v63  }
0x380: {  	s20 =	simm.s32 $0x17400;
	s19 =	sld [smem:$0x7F9]  }
0x381: {  	[tilespmem:s20], [sflag:$0x2] =	stream.indirect.gather [hbm4b:s3+s5], $0x20, s17, s5, $0xb8;
	[tilespmem:$0x1D400] =	vst v63  }
0x382: {  	s21 =	sld [smem:$0x7FA]  }
0x383: {  	[tilespmem:s10], [sflag:$0x2] =	stream.indirect.gather [hbm4b:s3+s5], $0x20, s19, s5, $0xb8;
	[tilespmem:$0x1D400] =	vst v63  }
0x384: {  	s22 =	sld [smem:$0x7FB];
	s24 =	simm.s32 $0x19400  }
0x385: {  	[tilespmem:s24], [sflag:$0x2] =	stream.indirect.gather [hbm4b:s3+s5], $0x20, s21, s5, $0xb8;
	[tilespmem:$0x1D400] =	vst v63  }
0x386: {  	s25 =	sld [smem:$0x7FC]  }
0x387: {  	[tilespmem:s28], [sflag:$0x2] =	stream.indirect.gather [hbm4b:s3+s5], $0x20, s22, s5, $0xb8;
	[tilespmem:$0x1D400] =	vst v63  }
0x388: {  	s26 =	sld [smem:$0x7FD]  }
0x389: {  	[tilespmem:s23], [sflag:$0x2] =	stream.indirect.gather [hbm4b:s3+s5], $0x20, s25, s5, $0xb8;
	[tilespmem:$0x1D400] =	vst v63  }
0x38a: {  	s28 =	simm.s32 $0x1C400  }
0x38b: {  	[tilespmem:s28], [sflag:$0x2] =	stream.indirect.gather [hbm4b:s3+s5], $0x20, s26, s5, $0xb8;
	[tilespmem:$0x1D400] =	vst v63  }
0x38c: {  	_ =	swait.ge [sflag:s13], $0xD000  }
0x38d: {  	[sflag:s13] =	ssyncset.done $0x0  }
0x38e: {  	s29 =	rddreg [dreg:$0xa];
	[sflag:s13] =	ssyncadd.s32 $0xFFFF3000  }
0x38f: {  	[hbm4b:s29+s2] =	stream.linear.scatter [tilespmem:s6], [sflag:$0x3], $0xD000, $0x38;
	[tilespmem:$0x1D400] =	vst v63  }
0x390: {  	_ =	swait.ge [sflag:s9], $0xD000  }
0x391: {  	[sflag:s9] =	ssyncset.done $0x0  }
0x392: {  	s30 =	rddreg [dreg:$0xb];
	[sflag:s9] =	ssyncadd.s32 $0xFFFF3000  }
0x393: {  	[hbm4b:s30+s2] =	stream.linear.scatter [tilespmem:s15], [sflag:$0x4], $0xD000, $0x38;
	[tilespmem:$0x1D400] =	vst v63  }
0x394: {  	_ =	swait.ge [sflag:s8], $0xD000  }
0x395: {  	[sflag:s8] =	ssyncset.done $0x0  }
0x396: {  	[sflag:s8] =	ssyncadd.s32 $0xFFFF3000  }
0x397: {  	_ =	swait.ge [sflag:s7], $0xD000  }
0x398: {  	[sflag:s7] =	ssyncset.done $0x0  }
0x399: {  	[sflag:s7] =	ssyncadd.s32 $0xFFFF3000  }
0x39a: {  	_ =	sfence.sel $0x180000  }
0x39b: {  	[bflag:$0x0] =	sbarrier.arrive $0xFFFF  }
0x39c: {  	_ =	strace $0x90000047  }
0x39d: {  	s31 =	stileid.u32;
	[bflag:$0x2] =	sbarrier.arrive $0xFFFF  }
0x39e: {  	p0 =	sne.s32 s31, $0x0;
	s0 =	rddreg [dreg:$0x2]  }
0x39f: {  	s0 =	sadd.s32 @!p0 $0x100000, s0  }
0x3a0: {  	[sflag:s0] =	ssyncadd.tile.s32 @!p0 $0x1;
	_ =	shalt  }
.LBB2_6:
.Ltmp3:
0x3a1: {  	(pc) =	sbr.rel .LBB2_5-.Ltmp3, $3  }
0x3a2: {  	_ =	sdelay $0x1  }
0x3a3: {  	s15 =	simm.s32 $0xC400;
	s31 =	simm.s32 $0x14400;
	s0 =	simm.s32 $0x15400  }
0x3a4: {  	s10 =	simm.s32 $0x18400;
	s11 =	simm.s32 $0xD400;
	s16 =	simm.s32 $0x5  }
.Lfunc_end2:
_tile_overlayer_lowered:
.L_overlay_start_2:
0x3a5: {  	(tag) =	ssettag $0x2  }
0x3a6: {  	s0 =	rddreg [dreg:$0x0];
	s2 =	stileid.u32  }
0x3a7: {  	s1 =	rddreg [dreg:$0x1];
	p0 =	sne.s32 s2, $0x0  }
0x3a8: {  	s3 =	rddreg [dreg:$0x2];
	[bflag:$0x3] =	sbarrier.arrive $0xFFFF;
	s2 =	simm.s32 @!p0 $0x1C05  }
0x3a9: {  	[timem:s3], [sflag:s2] =	dma.local @!p0 [hbm:s0], s1  }
0x3aa: {  	s0 =	simm.s32 @!p0 $0x5  }
0x3ab: {  	_ =	swait.ge @!p0 [sflag:s0], s1  }
0x3ac: {  	s1 =	ssub.s32 @!p0 $0x0, s1;
	[sflag:s0] =	ssyncset.done @!p0 $0x0  }
0x3ad: {  	[sflag:s0] =	ssyncadd.s32 @!p0 s1  }
0x3ae: {  	[bflag:$0x3] =	sbarrier.arrive $0xFFFF  }
0x3af: {  	_ =	shalt  }

// kernel: sparse-core-data-format-call.cloned.1.call-start
scs
called_computation_lowered:
.L_overlay_start_0:
0x0: {  	s2 =	sld [smem:$0x3FD9]  }
0x1: {  	s3 =	sld [smem:$0x3FFE];
	_ =	sdelay $0x1  }
0x2: {  	s1 =	srdreg.scid  }
0x3: {  	s0 =	sand.u32 $0x1, s1  }
0x4: {  	s18 =	sshll.u32 s0, $0xA;
	s2 =	sadd.s32 s3, s2  }
0x5: {  	s2 =	sadd.s32 s2, s18  }
0x6: {  	[smem:$0x3FC6] =	sst s2  }
0x7: {  	_ = 	snop  }
0x8: {  	s2 =	sld [smem:$0x3FD0];
	(tm) =	ssettm $0x1  }
0x9: {  	s19 =	sld [smem:$0x3FFB];
	_ =	sdelay $0x3  }
0xa: {  	_ =	strace s19  }
0xb: {  	s3 =	sld [smem:$0x3FFC];
	_ =	sdelay $0x3  }
0xc: {  	_ =	strace s3  }
0xd: {  	s3 =	sld [smem:$0x3FFD];
	_ =	sdelay $0x3  }
0xe: {  	_ =	strace s3  }
0xf: {  	_ =	strace $0x8FFFFFFF  }
0x10: {  	s20 =	sld [smem:$0x3FDB];
	_ =	sdelay $0x1  }
0x11: {  	s4 =	simm.s32 $_scs_section_size  }
0x12: {  	s5 =	simm.s32 $_size__tile_overlayer_lowered;
	s6 =	simm.s32 $_tile_overlayer_lowered  }
0x13: {  	s23 =	simm.s32 $0x1BFF;
	s22 =	sshll.u32 s6, $0x1;
	s3 =	sadd.s32 s4, s20  }
0x14: {  	s7 =	simm.s32 $0x0;
	s21 =	sshll.u32 s5, $0x1;
	s5 =	sadd.s32 s22, s3  }
0x15: {  	[timem:s7], [sflag:s23] =	dma.local [hbm:s5], s21  }
0x16: {  	_ =	swait.ge [sflag:s23], s21  }
0x17: {  	s4 =	ssub.s32 $0x0, s21;
	[sflag:s23] =	ssyncset.done $0x0  }
0x18: {  	[sflag:s23] =	ssyncadd.s32 s4;
	_ =	sdelay $0x1  }
0x19: {  	s24 =	simm.s32 $0x1B8B  }
0x1a: {  	_ =	swait.ge [sflag:s24], $0x1  }
0x1b: {  	[sflag:s24] =	ssyncset.done $0x0  }
0x1c: {  	s26 =	simm.s32 $0x1B8E;
	s25 =	sld [smem:$0x3FFE];
	[sflag:s24] =	ssyncadd.s32 $0xFFFFFFFF  }
0x1d: {  	s27 =	simm.s32 $execute0_lowered;
	[smem:$0x3FD2] =	sst s26  }
0x1e: {  	s5 =	sshll.u32 s27, $0x1;
	_ =	strace $0x80000049;
	[dreg:$0x1] =	wrdreg $0xFFFFFFFF  }
0x1f: {  	s28 =	simm.s32 $_size_execute0_lowered;
	s3 =	sadd.s32 s3, s5;
	[dreg:$0x0] =	wrdreg $0x0  }
0x20: {  	s5 =	sshll.u32 s28, $0x1;
	[dreg:$0x2] =	wrdreg s3  }
0x21: {  	[dreg:$0x3] =	wrdreg s5  }
0x22: {  	[dreg:$0x4] =	wrdreg $0xC0  }
0x23: {  	_ =	task [dreg:s7], $0x5FFFF  }
0x24: {  	[dreg:$0x1] =	wrdreg $0xFFFFFFFF  }
0x25: {  	[dreg:$0x0] =	wrdreg $0x60  }
0x26: {  	[dreg:$0x2] =	wrdreg s25  }
0x27: {  	[dreg:$0x3] =	wrdreg s2  }
0x28: {  	[dreg:$0x4] =	wrdreg $0x9  }
0x29: {  	_ =	task.clear_ibuf [dreg:s7], $0x5FFFF;
	_ =	strace $0x90000049  }
0x2a: {  	s29 =	simm.s32 $0x9;
	_ =	strace $0x8000004B  }
0x2b: {  	_ =	swait.ge [sflag:s29], $0x1  }
0x2c: {  	[sflag:s29] =	ssyncadd.s32 $0xFFFFFFFF  }
0x2d: {  	_ =	strace $0x9000004B  }
0x2e: {  	_ =	sfence  }
0x2f: {  	s30 =	sld [smem:$0x0];
	_ =	sdelay $0x2  }
0x30: {  	s31 =	sshll.u32 s1, $0xD;
	s1 =	sshrl.u32 s1, $0x2  }
0x31: {  	s3 =	sand.u32 $0x4000, s31;
	s1 =	sadd.s32 s1, s30  }
0x32: {  	s0 =	sor.u32 s3, s0;
	s1 =	sshll.u32 s1, $0x11  }
0x33: {  	s0 =	sor.u32 s1, s0  }
0x34: {  	s0 =	sadd.s32 $0x8F2B, s0  }
0x35: {  	[sflag:s0] =	ssyncadd.remote.s32 $0x1  }
0x36: {  	_ =	sfence.sel $0xFFFF  }
0x37: {  	[dreg:$0x0] =	wrdreg $0xFFFFFFFF;
	(pc) =	sbr.abs _section_cstart, $3  }
0x38: {  	[dreg:$0x1] =	wrdreg $0xFFFFFFFF  }
0x39: {  	_ =	task.clear_ibuf [dreg:s7], $0x2FFFF;
	_ =	strace $0x9FFFFFFF  }
0x3a: {  	(tm) =	ssettm $0x7FFFFFFF  }
0x3b: {  	_ =	shalt  }
tec
execute0_lowered:
.L_overlay_start_1:
0x0: {  	(tag) =	ssettag $0x1  }
0x1: {  	s0 =	srdreg.scid  }
0x2: {  	s1 =	sshll.u32 s0, $0x4  }
0x3: {  	s0 =	stileid.u32;
	s1 =	sand.u32 $0x10, s1  }
0x4: {  	s1 =	sor.u32 s0, s1  }
0x5: {  	s6 =	rddreg [dreg:$0x0];
	s4 =	simm.s32 $0x1;
	s2 =	sshll.u32 s1, $0x7  }
0x6: {  	s7 =	simm.s32 $0x2;
	s12 =	simm.s32 $0x0;
	s1 =	ssub.s32 $0x4000, s2  }
0x7: {  	s8 =	simm.s32 $0x20000;
	s13 =	simm.s32 $0x0;
	s3 =	sand.u32 $0xF80, s1  }
0x8: {  	s9 =	simm.s32 $0x0;
	s5 =	sshrl.u32 s1, $0xC;
	p0 =	sne.s32 s3, $0x0  }
.Ltmp0:
0x9: {  	s1 =	rddreg [dreg:$0x2];
	s4 =	simm.s32 @!p0 $0x0;
	(pc) =	sbr.rel .LBB1_1-.Ltmp0, $4  }
0xa: {  	s11 =	simm.s32 $0x0;
	s3 =	rddreg [dreg:$0x1];
	s5 =	sadd.s32 s4, s5  }
0xb: {  	_ =	strace $0x8000004A;
	s4 =	simm.s32 $0x1;
	s5 =	smul.u32 $0x1A, s5  }
0xc: {  	s6 =	sadd.s32 $0xA00, s6;
	s10 =	smov.u32 s2;
	[sflag:s4] =	ssyncpa.u1 $0x0  }
0xd: {  	p0 =	por $0x0, $0x0;
	[sflag:s7] =	ssyncpa.u1 $0x0;
	s7 =	sor.u32 $0x1, s5  }
.LBB1_4:
0xe: {  	s16 =	sshll.u32 s13, $0x3;
	s17 =	sand.u32 $0x78, s13  }
0xf: {  	s30 =	sand.u32 $0xF800, s13;
	s12 =	sshll.u32 s12, $0x10;
	s16 =	sand.u32 $0x3C00, s16  }
0x10: {  	s31 =	sand.u32 $0x7, s13;
	s16 =	sor.u32 s17, s16;
	s17 =	sadd.s32 s3, s30  }
0x11: {  	s13 =	sshll.u32 s31, $0x12;
	s16 =	sshrl.u32 s16, $0x3;
	s12 =	sadd.s32 s12, s17  }
0x12: {  	[tilespmem:s15+$0x0 ss:$0x81] =	vst.msk $0xffff, v0;
	s13 =	sor.u32 $0x400, s13;
	s12 =	sadd.s32 s16, s12  }
0x13: {  	[hbm4b:s12+s13] =	stream.strided.scatter [tilespmem:s14], [sflag:$0x2], $0x1000, s8, s13, $0x20;
	[tilespmem:$0x4040] =	vst v63  }
.LBB1_5:
0x14: {  	s14 =	sadd.s32 $0x1, s9  }
0x15: {  	s12 =	sadd.s32 $0x1000, s10;
	s16 =	smov.u32 s10;
	p2 =	sgt.s32 s14, $0x19  }
0x16: {  	s16 =	smov.u32 @p2 s12  }
0x17: {  	s14 =	simm.s32 @p2 $0x0;
	p2 =	sgt.s32 s16, $0x3FFF  }
0x18: {  	s16 =	smov.u32 @p2 s2;
	p2 =	sne.s32 s11, s7  }
.Ltmp1:
0x19: {  	p1 =	slt.u32 s11, $0x2;
	(pc) =	sbr.rel @!p2 .LBB1_6-.Ltmp1, $4  }
0x1a: {  	s15 =	simm.s32 @!p1 $0x2  }
0x1b: {  	s13 =	smov.u32 s10;
	p0 =	por !p0, !p0;
	_ =	swait.ge @!p1 [sflag:s15], $0x1000  }
0x1c: {  	s12 =	smov.u32 s9;
	[sflag:s15] =	ssyncset.done @!p1 $0x0;
	s9 =	smov.u32 s14  }
0x1d: {  	s11 =	sadd.s32 $0x1, s11;
	[sflag:s15] =	ssyncadd.s32 @!p1 $0xFFFFF000;
	s10 =	smov.u32 s16  }
.LBB1_1:
0x1e: {  	p1 =	sge.u32 s11, s5  }
0x1f: {  	s31 =	sadd.s32 $0xFFFFFFFF, s11;
	s14 =	sxor.u32 @!p1 $0xFFFFFFFF, s11  }
0x20: {  	s15 =	sshll.u32 @!p1 s10, $0x9;
	s16 =	sshll.u32 @!p1 s9, $0x4;
	s17 =	simm.s32 @!p1 $0x1000  }
0x21: {  	s14 =	sshll.u32 @!p1 s14, $0xC;
	s16 =	sand.u32 @!p1 $0x1F0, s16;
	s15 =	sadd.s32 @!p1 s6, s15  }
0x22: {  	s14 =	sand.u32 @!p1 $0x1000, s14;
	s15 =	sadd.s32 @!p1 s16, s15;
	s16 =	simm.s32 @!p1 $0x20  }
0x23: {  	[tilespmem:s14], [sflag:$0x1] =	stream.strided.gather @!p1 [hbm4b:s15+s16], $0x1000, s17, s16, $0x38;
	[tilespmem:$0x4040] =	vst v63  }
0x24: {  	p1 =	sge.u32 s31, s5  }
.Ltmp2:
0x25: {  	_ = 	snop;
	(pc) =	sbr.rel @p1 .LBB1_5-.Ltmp2, $1  }
0x26: {  	_ =	sdelay $0x3  }
0x27: {  	s14 =	simm.s32 $0x1  }
0x28: {  	_ =	swait.ge [sflag:s4], $0x1000;
	s14 =	simm.s32 @!p0 $0x0  }
0x29: {  	[sflag:s4] =	ssyncset.done $0x0;
	s15 =	sshll.u32 s14, $0xC  }
0x2a: {  	[sflag:s4] =	ssyncadd.s32 $0xFFFFF000;
	s18 =	sor.u32 $0x10, s15  }
0x2b: {  	s14 =	smul.u32 $0x4080, s14;
	v1 =	vld [tilespmem:s18+$0x0]  }
0x2c: {  	s30 =	sand.u32 $0x1, s11;
	v0 =	vld [tilespmem:s18+$0xFFFFFFF0]  }
0x2d: {  	s15 =	smul.u32 $0x4080, s30;
	s14 =	sshrl.u32 s14, $0x2  }
0x2e: {  	s16 =	sor.u32 $0x2000, s14  }
0x2f: {  	s31 =	sshrl.u32 s15, $0x2;
	s15 =	sadd.s32 $0x0, s16  }
0x30: {  	s17 =	simm.s32 $0x4;
	s18 =	sadd.s32 $0x20, s18;
	s14 =	sor.u32 $0x2000, s31;
	[tilespmem:s15+$0x810 ss:$0x81] =	vst.msk $0xffff, v1  }
.LBB1_3:
0x31: {  	v1 =	vld [tilespmem:s18+$0x0];
	p1 =	sne.s32 s17, $0x1FC;
	[tilespmem:s15+$0x0 ss:$0x81] =	vst.msk $0xffff, v0;
	s15 =	smov.u32 s17;
	s17 =	sadd.s32 $0x4, s17  }
.Ltmp3:
0x32: {  	v0 =	vld [tilespmem:s18+$0xFFFFFFF0];
	(pc) =	sbr.rel @p1 .LBB1_3-.Ltmp3, $4  }
0x33: {  	_ = 	snop  }
0x34: {  	s15 =	sshra.s32 s15, $0x2  }
0x35: {  	s15 =	sadd.s32 s15, s16  }
0x36: {  	s18 =	sadd.s32 $0x20, s18;
	[tilespmem:s15+$0x810 ss:$0x81] =	vst.msk $0xffff, v1  }
.Ltmp4:
0x37: {  	_ = 	snop;
	(pc) =	sbr.rel .LBB1_4-.Ltmp4, $1  }
0x38: {  	_ =	sdelay $0x3  }
.LBB1_6:
0x39: {  	_ =	sfence.sel $0x180000  }
0x3a: {  	s2 =	simm.s32 $0x1;
	[bflag:$0x0] =	sbarrier.arrive $0xFFFF  }
0x3b: {  	s31 =	simm.s32 $0x2;
	[sflag:s2] =	ssyncpa.u1 $0x1  }
0x3c: {  	[sflag:s31] =	ssyncpa.u1 $0x1  }
0x3d: {  	p0 =	sne.s32 s0, $0x0;
	_ =	strace $0x9000004A  }
0x3e: {  	s0 =	sadd.s32 @!p0 $0x100000, s1;
	[bflag:$0x2] =	sbarrier.arrive $0xFFFF  }
0x3f: {  	[sflag:s0] =	ssyncadd.tile.s32 @!p0 $0x1;
	_ =	shalt  }
.Lfunc_end1:
_tile_overlayer_lowered:
.L_overlay_start_2:
0x40: {  	(tag) =	ssettag $0x2  }
0x41: {  	s0 =	rddreg [dreg:$0x0];
	s2 =	stileid.u32  }
0x42: {  	s1 =	rddreg [dreg:$0x1];
	p0 =	sne.s32 s2, $0x0  }
0x43: {  	s3 =	rddreg [dreg:$0x2];
	[bflag:$0x3] =	sbarrier.arrive $0xFFFF;
	s2 =	simm.s32 @!p0 $0x1C01  }
0x44: {  	[timem:s3], [sflag:s2] =	dma.local @!p0 [hbm:s0], s1  }
0x45: {  	s0 =	simm.s32 @!p0 $0x1  }
0x46: {  	_ =	swait.ge @!p0 [sflag:s0], s1  }
0x47: {  	s1 =	ssub.s32 @!p0 $0x0, s1;
	[sflag:s0] =	ssyncset.done @!p0 $0x0  }
0x48: {  	[sflag:s0] =	ssyncadd.s32 @!p0 s1  }
0x49: {  	[bflag:$0x3] =	sbarrier.arrive $0xFFFF  }
0x4a: {  	_ =	shalt  }

</sc_bundles>
